<compile_context>
chip_gen: v7x
topology: tpu7x:2x2x1
jax: 0.10.2.dev20260603
libtpu: 0.0.44.dev20260713+nightly
codegen_flags: <defaults>
</compile_context>

<pallas_src>
import functools

import jax
import jax.numpy as jnp
from jax import lax
from jax.experimental import pallas as pl
from jax.experimental.pallas import tpu as pltpu
from jax.experimental.pallas import tpu_sc as plsc

ED = 128
N_TAB = 3
CH = 128
NSLOT = 6
NCHUNK = 2
BB = 4096


def _sc_gather(idxp, cat_table, sub_table, ind_table):
    Bc = idxp.shape[0] * CH
    info = plsc.get_sparse_core_info()
    NW = info.num_cores * info.num_subcores
    n_ch = Bc // (NW * CH)
    n_dma = N_TAB * n_ch
    nslot = min(NSLOT, n_dma)
    mesh = plsc.VectorSubcoreMesh(core_axis_name="c", subcore_axis_name="s")

    @functools.partial(
        pl.kernel,
        out_type=jax.ShapeDtypeStruct((N_TAB, Bc, ED), jnp.float32),
        mesh=mesh,
        scratch_types=[
            pltpu.VMEM((n_ch, N_TAB, CH), jnp.int32),
            pltpu.VMEM((nslot, CH, ED), jnp.float32),
            pltpu.SemaphoreType.DMA((nslot,)),
            pltpu.SemaphoreType.DMA((nslot,)),
        ],
    )
    def k(idx_hbm, cat_hbm, sub_hbm, ind_hbm, out_hbm, idx_v, buf, gsem, wsem):
        wid = lax.axis_index("s") * info.num_cores + lax.axis_index("c")
        tabs = (cat_hbm, sub_hbm, ind_hbm)
        pltpu.sync_copy(idx_hbm.at[pl.ds(wid * n_ch, n_ch)], idx_v)

        gh = [None] * n_dma
        wh = [None] * n_dma

        def fire(s):
            t, j = divmod(s, n_ch)
            gh[s] = pltpu.async_copy(
                tabs[t].at[idx_v.at[j, t]], buf.at[s % nslot],
                gsem.at[s % nslot])

        for s in range(nslot):
            fire(s)
        for s in range(n_dma):
            t, j = divmod(s, n_ch)
            gh[s].wait()
            wh[s] = pltpu.async_copy(
                buf.at[s % nslot],
                out_hbm.at[t, pl.ds((wid * n_ch + j) * CH, CH)],
                wsem.at[s % nslot])
            if s + nslot < n_dma:
                wh[s].wait()
                fire(s + nslot)
        for s in range(max(0, n_dma - nslot), n_dma):
            wh[s].wait()

    return k(idxp, cat_table, sub_table, ind_table)


def _mlp(emb, numeric, blk_off, w1cat, b1, w2, b2, w3, b3):
    _, Bc, E = emb.shape
    NF = numeric.shape[1]
    F1 = w1cat.shape[1]
    F2 = w2.shape[1]

    def body(emb_ref, num_ref, w1_ref, b1_ref, w2_ref, b2_ref,
             w3_ref, b3_ref, out_ref):
        bf = jnp.bfloat16
        x = jnp.concatenate(
            [num_ref[...].astype(bf)] +
            [emb_ref[t].astype(bf) for t in range(N_TAB)], axis=1)
        h1 = jnp.dot(x, w1_ref[...], preferred_element_type=jnp.float32)
        h1 = jnp.maximum(h1 + b1_ref[...], 0.0)
        h2 = jnp.dot(h1.astype(bf), w2_ref[...],
                     preferred_element_type=jnp.float32)
        h2 = jnp.maximum(h2 + b2_ref[...], 0.0)
        out_ref[...] = jnp.sum(h2 * w3_ref[...], axis=1, keepdims=True) + b3_ref[...]

    return pl.pallas_call(
        body,
        grid=(Bc // BB,),
        in_specs=[
            pl.BlockSpec((N_TAB, BB, E), lambda i: (0, i, 0)),
            pl.BlockSpec((BB, NF), lambda i: (i + blk_off, 0)),
            pl.BlockSpec((NF + N_TAB * E, F1), lambda i: (0, 0)),
            pl.BlockSpec((1, F1), lambda i: (0, 0)),
            pl.BlockSpec((F1, F2), lambda i: (0, 0)),
            pl.BlockSpec((1, F2), lambda i: (0, 0)),
            pl.BlockSpec((1, F2), lambda i: (0, 0)),
            pl.BlockSpec((1, 1), lambda i: (0, 0)),
        ],
        out_specs=pl.BlockSpec((BB, 1), lambda i: (i, 0)),
        out_shape=jax.ShapeDtypeStruct((Bc, 1), jnp.float32),
    )(emb, numeric, w1cat, b1, w2, b2, w3, b3)


def kernel(id_features_batch, numeric_features_batch, cat_table, sub_table,
           ind_table, W1, b1, W2, b2, W3, b3):
    B = id_features_batch.shape[0]
    idxp = id_features_batch.reshape(B // CH, CH, N_TAB).transpose(0, 2, 1)
    f1 = W1.shape[1]
    f2 = W2.shape[1]
    bf = jnp.bfloat16
    w1cat = jnp.concatenate([W1[N_TAB * ED:], W1[: N_TAB * ED]],
                            axis=0).astype(bf)
    b1r = b1.reshape(1, f1)
    w2 = W2.astype(bf)
    b2r = b2.reshape(1, f2)
    w3r = W3.reshape(1, f2)
    b3r = b3.reshape(1, 1)

    Bc = B // NCHUNK
    nblk = Bc // CH
    outs = []
    for c in range(NCHUNK):
        emb = _sc_gather(idxp[c * nblk:(c + 1) * nblk],
                         cat_table, sub_table, ind_table)
        outs.append(_mlp(emb, numeric_features_batch, c * (Bc // BB),
                         w1cat, b1r, w2, b2r, w3r, b3r))
    return jnp.concatenate(outs, axis=0)

# --- scband reference (transcript-rebuilt; emitter-appended) ---
"""Pipeline reference for scband-qnetwork-with-embeddings-53249004536212 (READ-ONLY COPY).

The authoritative reference and input builder live on the scoring server;
editing this copy changes nothing except your own understanding.
"""

import jax, jax.numpy as jnp
import numpy as np

B = 16384
CAT_V, SUB_V, IND_V = 1000, 100000, 1000
ED = 128
NUM_F = 256
FC1, FC2 = 512, 128
FC_IN = 3 * ED + NUM_F


def setup_inputs(seed: int = 0) -> dict:
    key = jax.random.key(seed)
    ks = jax.random.split(key, 12)
    id_features_batch = jax.random.randint(ks[0], (B, 3), 0, 1000, dtype=jnp.int32)
    numeric_features_batch = jax.random.normal(ks[1], (B, NUM_F), dtype=jnp.float32)
    cat_table = jax.random.normal(ks[2], (CAT_V, ED), dtype=jnp.float32) * 0.02
    sub_table = jax.random.normal(ks[3], (SUB_V, ED), dtype=jnp.float32) * 0.02
    ind_table = jax.random.normal(ks[4], (IND_V, ED), dtype=jnp.float32) * 0.02
    W1 = jax.random.normal(ks[5], (FC_IN, FC1), dtype=jnp.float32) * (1.0 / np.sqrt(FC_IN))
    b1 = jnp.zeros((FC1,), dtype=jnp.float32)
    W2 = jax.random.normal(ks[6], (FC1, FC2), dtype=jnp.float32) * (1.0 / np.sqrt(FC1))
    b2 = jnp.zeros((FC2,), dtype=jnp.float32)
    W3 = jax.random.normal(ks[7], (FC2, 1), dtype=jnp.float32) * (1.0 / np.sqrt(FC2))
    b3 = jnp.zeros((1,), dtype=jnp.float32)
    return {
        'id_features_batch': id_features_batch,
        'numeric_features_batch': numeric_features_batch,
        'cat_table': cat_table,
        'sub_table': sub_table,
        'ind_table': ind_table,
        'W1': W1, 'b1': b1, 'W2': W2, 'b2': b2, 'W3': W3, 'b3': b3,
    }


def reference(id_features_batch, numeric_features_batch, cat_table, sub_table, ind_table, W1, b1, W2, b2, W3, b3):
    cat_ids = id_features_batch[:, 0]
    sub_cat_ids = id_features_batch[:, 1]
    ind_ids = id_features_batch[:, 2]
    cat_embed = jnp.take(cat_table, cat_ids, axis=0)
    sub_cat_embed = jnp.take(sub_table, sub_cat_ids, axis=0)
    ind_embed = jnp.take(ind_table, ind_ids, axis=0)
    embedded_features = jnp.concatenate([cat_embed, sub_cat_embed, ind_embed], axis=1)
    all_features = jnp.concatenate([embedded_features, numeric_features_batch], axis=1)
    x = jax.nn.relu(all_features @ W1 + b1)
    # dropout is identity at inference
    x = jax.nn.relu(x @ W2 + b2)
    out = x @ W3 + b3
    return out

if __name__ == "__main__":
    import jax
    _d = setup_inputs()
    print(jax.jit(kernel)(*tuple(_d.values())))

</pallas_src>

<mosaic_0001>
#map = affine_map<(d0, d1) -> (0, 0, 0)>
#map1 = affine_map<(d0, d1) -> (0, 0)>
module attributes {stable_mosaic.version = 14 : i64} {
  func.func @k(%arg0: i32, %arg1: i32, %arg2: memref<64x3x128xi32, #tpu.memory_space<hbm>>, %arg3: memref<1000x128xf32, #tpu.memory_space<hbm>>, %arg4: memref<100000x128xf32, #tpu.memory_space<hbm>>, %arg5: memref<1000x128xf32, #tpu.memory_space<hbm>>, %arg6: memref<3x8192x128xf32, #tpu.memory_space<hbm>>, %arg7: memref<2x3x128xi32, #tpu.memory_space<vmem>>, %arg8: memref<6x128x128xf32, #tpu.memory_space<vmem>>, %arg9: memref<6x!tpu.dma_semaphore, #tpu.memory_space<semaphore_mem>>, %arg10: memref<6x!tpu.dma_semaphore, #tpu.memory_space<semaphore_mem>>) attributes {dimension_semantics = [#tpu.dimension_semantics<core_parallel>, #tpu.dimension_semantics<subcore_parallel>], iteration_bounds = array<i64: 2, 16>, scalar_prefetch = 0 : i64, scratch_operands = 4 : i64, tpu.core_type = #tpu.core_type<sc_vector_subcore>, window_params = [{transform_indices = #map}, {transform_indices = #map1}, {transform_indices = #map1}, {transform_indices = #map1}, {transform_indices = #map}]} {
    %mul3A = arith.constant 2 : i32
    %mul3A_0 = arith.muli %arg1, %mul3A : i32
    %add3A = arith.addi %mul3A_0, %arg0 : i32
    %mul3A_1 = arith.constant 2 : i32
    %mul3A_2 = arith.muli %add3A, %mul3A_1 : i32
    "tpu.region"() ({
      %run_scoped3A = tpu.sem_alloc : memref<!tpu.dma_semaphore, #tpu.memory_space<semaphore_mem>>
      %dma_start3A_457 = arith.constant 0 : i32
      %dma_start3A_458 = arith.constant 0 : i32
      %dma_start3A_459 = tpu.memref_slice %arg2[%mul3A_2, %dma_start3A_457, %dma_start3A_458] : memref<64x3x128xi32, #tpu.memory_space<hbm>> -> memref<2x3x128xi32, #tpu.memory_space<hbm>>
      %dma_start3A_460 = arith.constant 0 : i32
      %dma_start3A_461 = arith.constant 0 : i32
      %dma_start3A_462 = tpu.memref_slice %arg2[%mul3A_2, %dma_start3A_460, %dma_start3A_461] : memref<64x3x128xi32, #tpu.memory_space<hbm>> -> memref<2x3x128xi32, #tpu.memory_space<hbm>>
      tpu.enqueue_dma source(%dma_start3A_462 : memref<2x3x128xi32, #tpu.memory_space<hbm>>) target(%arg7 : memref<2x3x128xi32, #tpu.memory_space<vmem>>) target_semaphore(%run_scoped3A : memref<!tpu.dma_semaphore, #tpu.memory_space<semaphore_mem>>)
      %dma_wait3A_463 = arith.constant 0 : i32
      %dma_wait3A_464 = arith.constant 0 : i32
      %dma_wait3A_465 = tpu.memref_slice %arg2[%mul3A_2, %dma_wait3A_463, %dma_wait3A_464] : memref<64x3x128xi32, #tpu.memory_space<hbm>> -> memref<2x3x128xi32, #tpu.memory_space<hbm>>
      %dma_wait3A_466 = arith.constant 0 : i32
      %dma_wait3A_467 = arith.constant 0 : i32
      %dma_wait3A_468 = tpu.memref_slice %arg2[%mul3A_2, %dma_wait3A_466, %dma_wait3A_467] : memref<64x3x128xi32, #tpu.memory_space<hbm>> -> memref<2x3x128xi32, #tpu.memory_space<hbm>>
      tpu.wait_dma2 semaphore(%run_scoped3A : memref<!tpu.dma_semaphore, #tpu.memory_space<semaphore_mem>>) src(%dma_wait3A_468 : memref<2x3x128xi32, #tpu.memory_space<hbm>>) dst(%arg7 : memref<2x3x128xi32, #tpu.memory_space<vmem>>)
      tpu.yield
    }) : () -> ()
    %dma_start3A = arith.constant 0 : i32
    %dma_start3A_3 = arith.constant 0 : i32
    %dma_start3A_4 = arith.constant 0 : i32
    %dma_start3A_5 = arith.constant 0 : i32
    %dma_start3A_6 = arith.constant 0 : i32
    %dma_start3A_7 = arith.constant 0 : i32
    %dma_start3A_8 = tpu.memref_slice %arg8[%dma_start3A_4, %dma_start3A_6, %dma_start3A_7] : memref<6x128x128xf32, #tpu.memory_space<vmem>> -> memref<1x128x128xf32, #tpu.memory_space<vmem>>
    %dma_start3A_9 = tpu.memref_squeeze %dma_start3A_8 : memref<1x128x128xf32, #tpu.memory_space<vmem>> -> memref<128x128xf32, #tpu.memory_space<vmem>>
    %dma_start3A_10 = arith.constant 0 : i32
    %dma_start3A_11 = tpu.memref_slice %arg7[%dma_start3A, %dma_start3A_3, %dma_start3A_10] : memref<2x3x128xi32, #tpu.memory_space<vmem>> -> memref<1x1x128xi32, #tpu.memory_space<vmem>>
    %dma_start3A_12 = tpu.memref_squeeze %dma_start3A_11 : memref<1x1x128xi32, #tpu.memory_space<vmem>> -> memref<128xi32, #tpu.memory_space<vmem>>
    %dma_start3A_13 = arith.constant 0 : i32
    %dma_start3A_14 = arith.constant 0 : i32
    %dma_start3A_15 = tpu.memref_slice %arg3[%dma_start3A_13, %dma_start3A_14] : memref<1000x128xf32, #tpu.memory_space<hbm>> -> memref<1000x128xf32, #tpu.memory_space<hbm>>
    %dma_start3A_16 = tpu.memref_slice %arg9[%dma_start3A_5] : memref<6x!tpu.dma_semaphore, #tpu.memory_space<semaphore_mem>> -> memref<1x!tpu.dma_semaphore, #tpu.memory_space<semaphore_mem>>
    %dma_start3A_17 = tpu.memref_squeeze %dma_start3A_16 : memref<1x!tpu.dma_semaphore, #tpu.memory_space<semaphore_mem>> -> memref<!tpu.dma_semaphore, #tpu.memory_space<semaphore_mem>>
    tpu.enqueue_indirect_dma source(%dma_start3A_15 : memref<1000x128xf32, #tpu.memory_space<hbm>>) target(%dma_start3A_9 : memref<128x128xf32, #tpu.memory_space<vmem>>) offsets(%dma_start3A_12 : memref<128xi32, #tpu.memory_space<vmem>>) semaphore(%dma_start3A_17 : memref<!tpu.dma_semaphore, #tpu.memory_space<semaphore_mem>>)
    %dma_start3A_18 = arith.constant 1 : i32
    %dma_start3A_19 = arith.constant 0 : i32
    %dma_start3A_20 = arith.constant 1 : i32
    %dma_start3A_21 = arith.constant 1 : i32
    %dma_start3A_22 = arith.constant 0 : i32
    %dma_start3A_23 = arith.constant 0 : i32
    %dma_start3A_24 = tpu.memref_slice %arg8[%dma_start3A_20, %dma_start3A_22, %dma_start3A_23] : memref<6x128x128xf32, #tpu.memory_space<vmem>> -> memref<1x128x128xf32, #tpu.memory_space<vmem>>
    %dma_start3A_25 = tpu.memref_squeeze %dma_start3A_24 : memref<1x128x128xf32, #tpu.memory_space<vmem>> -> memref<128x128xf32, #tpu.memory_space<vmem>>
    %dma_start3A_26 = arith.constant 0 : i32
    %dma_start3A_27 = tpu.memref_slice %arg7[%dma_start3A_18, %dma_start3A_19, %dma_start3A_26] : memref<2x3x128xi32, #tpu.memory_space<vmem>> -> memref<1x1x128xi32, #tpu.memory_space<vmem>>
    %dma_start3A_28 = tpu.memref_squeeze %dma_start3A_27 : memref<1x1x128xi32, #tpu.memory_space<vmem>> -> memref<128xi32, #tpu.memory_space<vmem>>
    %dma_start3A_29 = arith.constant 0 : i32
    %dma_start3A_30 = arith.constant 0 : i32
    %dma_start3A_31 = tpu.memref_slice %arg3[%dma_start3A_29, %dma_start3A_30] : memref<1000x128xf32, #tpu.memory_space<hbm>> -> memref<1000x128xf32, #tpu.memory_space<hbm>>
    %dma_start3A_32 = tpu.memref_slice %arg9[%dma_start3A_21] : memref<6x!tpu.dma_semaphore, #tpu.memory_space<semaphore_mem>> -> memref<1x!tpu.dma_semaphore, #tpu.memory_space<semaphore_mem>>
    %dma_start3A_33 = tpu.memref_squeeze %dma_start3A_32 : memref<1x!tpu.dma_semaphore, #tpu.memory_space<semaphore_mem>> -> memref<!tpu.dma_semaphore, #tpu.memory_space<semaphore_mem>>
    tpu.enqueue_indirect_dma source(%dma_start3A_31 : memref<1000x128xf32, #tpu.memory_space<hbm>>) target(%dma_start3A_25 : memref<128x128xf32, #tpu.memory_space<vmem>>) offsets(%dma_start3A_28 : memref<128xi32, #tpu.memory_space<vmem>>) semaphore(%dma_start3A_33 : memref<!tpu.dma_semaphore, #tpu.memory_space<semaphore_mem>>)
    %dma_start3A_34 = arith.constant 0 : i32
    %dma_start3A_35 = arith.constant 1 : i32
    %dma_start3A_36 = arith.constant 2 : i32
    %dma_start3A_37 = arith.constant 2 : i32
    %dma_start3A_38 = arith.constant 0 : i32
    %dma_start3A_39 = arith.constant 0 : i32
    %dma_start3A_40 = tpu.memref_slice %arg8[%dma_start3A_36, %dma_start3A_38, %dma_start3A_39] : memref<6x128x128xf32, #tpu.memory_space<vmem>> -> memref<1x128x128xf32, #tpu.memory_space<vmem>>
    %dma_start3A_41 = tpu.memref_squeeze %dma_start3A_40 : memref<1x128x128xf32, #tpu.memory_space<vmem>> -> memref<128x128xf32, #tpu.memory_space<vmem>>
    %dma_start3A_42 = arith.constant 0 : i32
    %dma_start3A_43 = tpu.memref_slice %arg7[%dma_start3A_34, %dma_start3A_35, %dma_start3A_42] : memref<2x3x128xi32, #tpu.memory_space<vmem>> -> memref<1x1x128xi32, #tpu.memory_space<vmem>>
    %dma_start3A_44 = tpu.memref_squeeze %dma_start3A_43 : memref<1x1x128xi32, #tpu.memory_space<vmem>> -> memref<128xi32, #tpu.memory_space<vmem>>
    %dma_start3A_45 = arith.constant 0 : i32
    %dma_start3A_46 = arith.constant 0 : i32
    %dma_start3A_47 = tpu.memref_slice %arg4[%dma_start3A_45, %dma_start3A_46] : memref<100000x128xf32, #tpu.memory_space<hbm>> -> memref<100000x128xf32, #tpu.memory_space<hbm>>
    %dma_start3A_48 = tpu.memref_slice %arg9[%dma_start3A_37] : memref<6x!tpu.dma_semaphore, #tpu.memory_space<semaphore_mem>> -> memref<1x!tpu.dma_semaphore, #tpu.memory_space<semaphore_mem>>
    %dma_start3A_49 = tpu.memref_squeeze %dma_start3A_48 : memref<1x!tpu.dma_semaphore, #tpu.memory_space<semaphore_mem>> -> memref<!tpu.dma_semaphore, #tpu.memory_space<semaphore_mem>>
    tpu.enqueue_indirect_dma source(%dma_start3A_47 : memref<100000x128xf32, #tpu.memory_space<hbm>>) target(%dma_start3A_41 : memref<128x128xf32, #tpu.memory_space<vmem>>) offsets(%dma_start3A_44 : memref<128xi32, #tpu.memory_space<vmem>>) semaphore(%dma_start3A_49 : memref<!tpu.dma_semaphore, #tpu.memory_space<semaphore_mem>>)
    %dma_start3A_50 = arith.constant 1 : i32
    %dma_start3A_51 = arith.constant 1 : i32
    %dma_start3A_52 = arith.constant 3 : i32
    %dma_start3A_53 = arith.constant 3 : i32
    %dma_start3A_54 = arith.constant 0 : i32
    %dma_start3A_55 = arith.constant 0 : i32
    %dma_start3A_56 = tpu.memref_slice %arg8[%dma_start3A_52, %dma_start3A_54, %dma_start3A_55] : memref<6x128x128xf32, #tpu.memory_space<vmem>> -> memref<1x128x128xf32, #tpu.memory_space<vmem>>
    %dma_start3A_57 = tpu.memref_squeeze %dma_start3A_56 : memref<1x128x128xf32, #tpu.memory_space<vmem>> -> memref<128x128xf32, #tpu.memory_space<vmem>>
    %dma_start3A_58 = arith.constant 0 : i32
    %dma_start3A_59 = tpu.memref_slice %arg7[%dma_start3A_50, %dma_start3A_51, %dma_start3A_58] : memref<2x3x128xi32, #tpu.memory_space<vmem>> -> memref<1x1x128xi32, #tpu.memory_space<vmem>>
    %dma_start3A_60 = tpu.memref_squeeze %dma_start3A_59 : memref<1x1x128xi32, #tpu.memory_space<vmem>> -> memref<128xi32, #tpu.memory_space<vmem>>
    %dma_start3A_61 = arith.constant 0 : i32
    %dma_start3A_62 = arith.constant 0 : i32
    %dma_start3A_63 = tpu.memref_slice %arg4[%dma_start3A_61, %dma_start3A_62] : memref<100000x128xf32, #tpu.memory_space<hbm>> -> memref<100000x128xf32, #tpu.memory_space<hbm>>
    %dma_start3A_64 = tpu.memref_slice %arg9[%dma_start3A_53] : memref<6x!tpu.dma_semaphore, #tpu.memory_space<semaphore_mem>> -> memref<1x!tpu.dma_semaphore, #tpu.memory_space<semaphore_mem>>
    %dma_start3A_65 = tpu.memref_squeeze %dma_start3A_64 : memref<1x!tpu.dma_semaphore, #tpu.memory_space<semaphore_mem>> -> memref<!tpu.dma_semaphore, #tpu.memory_space<semaphore_mem>>
    tpu.enqueue_indirect_dma source(%dma_start3A_63 : memref<100000x128xf32, #tpu.memory_space<hbm>>) target(%dma_start3A_57 : memref<128x128xf32, #tpu.memory_space<vmem>>) offsets(%dma_start3A_60 : memref<128xi32, #tpu.memory_space<vmem>>) semaphore(%dma_start3A_65 : memref<!tpu.dma_semaphore, #tpu.memory_space<semaphore_mem>>)
    %dma_start3A_66 = arith.constant 0 : i32
    %dma_start3A_67 = arith.constant 2 : i32
    %dma_start3A_68 = arith.constant 4 : i32
    %dma_start3A_69 = arith.constant 4 : i32
    %dma_start3A_70 = arith.constant 0 : i32
    %dma_start3A_71 = arith.constant 0 : i32
    %dma_start3A_72 = tpu.memref_slice %arg8[%dma_start3A_68, %dma_start3A_70, %dma_start3A_71] : memref<6x128x128xf32, #tpu.memory_space<vmem>> -> memref<1x128x128xf32, #tpu.memory_space<vmem>>
    %dma_start3A_73 = tpu.memref_squeeze %dma_start3A_72 : memref<1x128x128xf32, #tpu.memory_space<vmem>> -> memref<128x128xf32, #tpu.memory_space<vmem>>
    %dma_start3A_74 = arith.constant 0 : i32
    %dma_start3A_75 = tpu.memref_slice %arg7[%dma_start3A_66, %dma_start3A_67, %dma_start3A_74] : memref<2x3x128xi32, #tpu.memory_space<vmem>> -> memref<1x1x128xi32, #tpu.memory_space<vmem>>
    %dma_start3A_76 = tpu.memref_squeeze %dma_start3A_75 : memref<1x1x128xi32, #tpu.memory_space<vmem>> -> memref<128xi32, #tpu.memory_space<vmem>>
    %dma_start3A_77 = arith.constant 0 : i32
    %dma_start3A_78 = arith.constant 0 : i32
    %dma_start3A_79 = tpu.memref_slice %arg5[%dma_start3A_77, %dma_start3A_78] : memref<1000x128xf32, #tpu.memory_space<hbm>> -> memref<1000x128xf32, #tpu.memory_space<hbm>>
    %dma_start3A_80 = tpu.memref_slice %arg9[%dma_start3A_69] : memref<6x!tpu.dma_semaphore, #tpu.memory_space<semaphore_mem>> -> memref<1x!tpu.dma_semaphore, #tpu.memory_space<semaphore_mem>>
    %dma_start3A_81 = tpu.memref_squeeze %dma_start3A_80 : memref<1x!tpu.dma_semaphore, #tpu.memory_space<semaphore_mem>> -> memref<!tpu.dma_semaphore, #tpu.memory_space<semaphore_mem>>
    tpu.enqueue_indirect_dma source(%dma_start3A_79 : memref<1000x128xf32, #tpu.memory_space<hbm>>) target(%dma_start3A_73 : memref<128x128xf32, #tpu.memory_space<vmem>>) offsets(%dma_start3A_76 : memref<128xi32, #tpu.memory_space<vmem>>) semaphore(%dma_start3A_81 : memref<!tpu.dma_semaphore, #tpu.memory_space<semaphore_mem>>)
    %dma_start3A_82 = arith.constant 1 : i32
    %dma_start3A_83 = arith.constant 2 : i32
    %dma_start3A_84 = arith.constant 5 : i32
    %dma_start3A_85 = arith.constant 5 : i32
    %dma_start3A_86 = arith.constant 0 : i32
    %dma_start3A_87 = arith.constant 0 : i32
    %dma_start3A_88 = tpu.memref_slice %arg8[%dma_start3A_84, %dma_start3A_86, %dma_start3A_87] : memref<6x128x128xf32, #tpu.memory_space<vmem>> -> memref<1x128x128xf32, #tpu.memory_space<vmem>>
    %dma_start3A_89 = tpu.memref_squeeze %dma_start3A_88 : memref<1x128x128xf32, #tpu.memory_space<vmem>> -> memref<128x128xf32, #tpu.memory_space<vmem>>
    %dma_start3A_90 = arith.constant 0 : i32
    %dma_start3A_91 = tpu.memref_slice %arg7[%dma_start3A_82, %dma_start3A_83, %dma_start3A_90] : memref<2x3x128xi32, #tpu.memory_space<vmem>> -> memref<1x1x128xi32, #tpu.memory_space<vmem>>
    %dma_start3A_92 = tpu.memref_squeeze %dma_start3A_91 : memref<1x1x128xi32, #tpu.memory_space<vmem>> -> memref<128xi32, #tpu.memory_space<vmem>>
    %dma_start3A_93 = arith.constant 0 : i32
    %dma_start3A_94 = arith.constant 0 : i32
    %dma_start3A_95 = tpu.memref_slice %arg5[%dma_start3A_93, %dma_start3A_94] : memref<1000x128xf32, #tpu.memory_space<hbm>> -> memref<1000x128xf32, #tpu.memory_space<hbm>>
    %dma_start3A_96 = tpu.memref_slice %arg9[%dma_start3A_85] : memref<6x!tpu.dma_semaphore, #tpu.memory_space<semaphore_mem>> -> memref<1x!tpu.dma_semaphore, #tpu.memory_space<semaphore_mem>>
    %dma_start3A_97 = tpu.memref_squeeze %dma_start3A_96 : memref<1x!tpu.dma_semaphore, #tpu.memory_space<semaphore_mem>> -> memref<!tpu.dma_semaphore, #tpu.memory_space<semaphore_mem>>
    tpu.enqueue_indirect_dma source(%dma_start3A_95 : memref<1000x128xf32, #tpu.memory_space<hbm>>) target(%dma_start3A_89 : memref<128x128xf32, #tpu.memory_space<vmem>>) offsets(%dma_start3A_92 : memref<128xi32, #tpu.memory_space<vmem>>) semaphore(%dma_start3A_97 : memref<!tpu.dma_semaphore, #tpu.memory_space<semaphore_mem>>)
    %dma_wait3A = arith.constant 0 : i32
    %dma_wait3A_98 = arith.constant 0 : i32
    %dma_wait3A_99 = arith.constant 0 : i32
    %dma_wait3A_100 = arith.constant 0 : i32
    %dma_wait3A_101 = arith.constant 0 : i32
    %dma_wait3A_102 = arith.constant 0 : i32
    %dma_wait3A_103 = tpu.memref_slice %arg8[%dma_wait3A_99, %dma_wait3A_101, %dma_wait3A_102] : memref<6x128x128xf32, #tpu.memory_space<vmem>> -> memref<1x128x128xf32, #tpu.memory_space<vmem>>
    %dma_wait3A_104 = tpu.memref_squeeze %dma_wait3A_103 : memref<1x128x128xf32, #tpu.memory_space<vmem>> -> memref<128x128xf32, #tpu.memory_space<vmem>>
    %dma_wait3A_105 = arith.constant 0 : i32
    %dma_wait3A_106 = tpu.memref_slice %arg7[%dma_wait3A, %dma_wait3A_98, %dma_wait3A_105] : memref<2x3x128xi32, #tpu.memory_space<vmem>> -> memref<1x1x128xi32, #tpu.memory_space<vmem>>
    %dma_wait3A_107 = tpu.memref_squeeze %dma_wait3A_106 : memref<1x1x128xi32, #tpu.memory_space<vmem>> -> memref<128xi32, #tpu.memory_space<vmem>>
    %dma_wait3A_108 = arith.constant 0 : i32
    %dma_wait3A_109 = arith.constant 0 : i32
    %dma_wait3A_110 = tpu.memref_slice %arg3[%dma_wait3A_108, %dma_wait3A_109] : memref<1000x128xf32, #tpu.memory_space<hbm>> -> memref<1000x128xf32, #tpu.memory_space<hbm>>
    %dma_wait3A_111 = tpu.memref_slice %arg9[%dma_wait3A_100] : memref<6x!tpu.dma_semaphore, #tpu.memory_space<semaphore_mem>> -> memref<1x!tpu.dma_semaphore, #tpu.memory_space<semaphore_mem>>
    %dma_wait3A_112 = tpu.memref_squeeze %dma_wait3A_111 : memref<1x!tpu.dma_semaphore, #tpu.memory_space<semaphore_mem>> -> memref<!tpu.dma_semaphore, #tpu.memory_space<semaphore_mem>>
    tpu.wait_indirect_dma semaphore(%dma_wait3A_112 : memref<!tpu.dma_semaphore, #tpu.memory_space<semaphore_mem>>) src(%dma_wait3A_110 : memref<1000x128xf32, #tpu.memory_space<hbm>>) dst(%dma_wait3A_104 : memref<128x128xf32, #tpu.memory_space<vmem>>)
    %mul3A_113 = arith.constant 2 : i32
    %mul3A_114 = arith.muli %add3A, %mul3A_113 : i32
    %add3A_115 = arith.constant 0 : i32
    %add3A_116 = arith.addi %mul3A_114, %add3A_115 : i32
    %mul3A_117 = arith.constant 128 : i32
    %mul3A_118 = arith.muli %add3A_116, %mul3A_117 : i32
    %dma_start3A_119 = arith.constant 0 : i32
    %dma_start3A_120 = arith.constant 0 : i32
    %dma_start3A_121 = arith.constant 0 : i32
    %dma_start3A_122 = arith.constant 0 : i32
    %dma_start3A_123 = arith.constant 0 : i32
    %dma_start3A_124 = tpu.memref_slice %arg8[%dma_start3A_119, %dma_start3A_122, %dma_start3A_123] : memref<6x128x128xf32, #tpu.memory_space<vmem>> -> memref<1x128x128xf32, #tpu.memory_space<vmem>>
    %dma_start3A_125 = tpu.memref_squeeze %dma_start3A_124 : memref<1x128x128xf32, #tpu.memory_space<vmem>> -> memref<128x128xf32, #tpu.memory_space<vmem>>
    %dma_start3A_126 = arith.constant 0 : i32
    %dma_start3A_127 = tpu.memref_slice %arg6[%dma_start3A_120, %mul3A_118, %dma_start3A_126] : memref<3x8192x128xf32, #tpu.memory_space<hbm>> -> memref<1x128x128xf32, #tpu.memory_space<hbm>>
    %dma_start3A_128 = tpu.memref_squeeze %dma_start3A_127 : memref<1x128x128xf32, #tpu.memory_space<hbm>> -> memref<128x128xf32, #tpu.memory_space<hbm>>
    %dma_start3A_129 = tpu.memref_slice %arg10[%dma_start3A_121] : memref<6x!tpu.dma_semaphore, #tpu.memory_space<semaphore_mem>> -> memref<1x!tpu.dma_semaphore, #tpu.memory_space<semaphore_mem>>
    %dma_start3A_130 = tpu.memref_squeeze %dma_start3A_129 : memref<1x!tpu.dma_semaphore, #tpu.memory_space<semaphore_mem>> -> memref<!tpu.dma_semaphore, #tpu.memory_space<semaphore_mem>>
    %dma_start3A_131 = arith.constant 0 : i32
    %dma_start3A_132 = tpu.memref_slice %arg6[%dma_start3A_120, %mul3A_118, %dma_start3A_131] : memref<3x8192x128xf32, #tpu.memory_space<hbm>> -> memref<1x128x128xf32, #tpu.memory_space<hbm>>
    %dma_start3A_133 = tpu.memref_squeeze %dma_start3A_132 : memref<1x128x128xf32, #tpu.memory_space<hbm>> -> memref<128x128xf32, #tpu.memory_space<hbm>>
    %dma_start3A_134 = arith.constant 0 : i32
    %dma_start3A_135 = arith.constant 0 : i32
    %dma_start3A_136 = tpu.memref_slice %arg8[%dma_start3A_119, %dma_start3A_134, %dma_start3A_135] : memref<6x128x128xf32, #tpu.memory_space<vmem>> -> memref<1x128x128xf32, #tpu.memory_space<vmem>>
    %dma_start3A_137 = tpu.memref_squeeze %dma_start3A_136 : memref<1x128x128xf32, #tpu.memory_space<vmem>> -> memref<128x128xf32, #tpu.memory_space<vmem>>
    tpu.enqueue_dma source(%dma_start3A_137 : memref<128x128xf32, #tpu.memory_space<vmem>>) target(%dma_start3A_133 : memref<128x128xf32, #tpu.memory_space<hbm>>) target_semaphore(%dma_start3A_130 : memref<!tpu.dma_semaphore, #tpu.memory_space<semaphore_mem>>)
    %dma_wait3A_138 = arith.constant 1 : i32
    %dma_wait3A_139 = arith.constant 0 : i32
    %dma_wait3A_140 = arith.constant 1 : i32
    %dma_wait3A_141 = arith.constant 1 : i32
    %dma_wait3A_142 = arith.constant 0 : i32
    %dma_wait3A_143 = arith.constant 0 : i32
    %dma_wait3A_144 = tpu.memref_slice %arg8[%dma_wait3A_140, %dma_wait3A_142, %dma_wait3A_143] : memref<6x128x128xf32, #tpu.memory_space<vmem>> -> memref<1x128x128xf32, #tpu.memory_space<vmem>>
    %dma_wait3A_145 = tpu.memref_squeeze %dma_wait3A_144 : memref<1x128x128xf32, #tpu.memory_space<vmem>> -> memref<128x128xf32, #tpu.memory_space<vmem>>
    %dma_wait3A_146 = arith.constant 0 : i32
    %dma_wait3A_147 = tpu.memref_slice %arg7[%dma_wait3A_138, %dma_wait3A_139, %dma_wait3A_146] : memref<2x3x128xi32, #tpu.memory_space<vmem>> -> memref<1x1x128xi32, #tpu.memory_space<vmem>>
    %dma_wait3A_148 = tpu.memref_squeeze %dma_wait3A_147 : memref<1x1x128xi32, #tpu.memory_space<vmem>> -> memref<128xi32, #tpu.memory_space<vmem>>
    %dma_wait3A_149 = arith.constant 0 : i32
    %dma_wait3A_150 = arith.constant 0 : i32
    %dma_wait3A_151 = tpu.memref_slice %arg3[%dma_wait3A_149, %dma_wait3A_150] : memref<1000x128xf32, #tpu.memory_space<hbm>> -> memref<1000x128xf32, #tpu.memory_space<hbm>>
    %dma_wait3A_152 = tpu.memref_slice %arg9[%dma_wait3A_141] : memref<6x!tpu.dma_semaphore, #tpu.memory_space<semaphore_mem>> -> memref<1x!tpu.dma_semaphore, #tpu.memory_space<semaphore_mem>>
    %dma_wait3A_153 = tpu.memref_squeeze %dma_wait3A_152 : memref<1x!tpu.dma_semaphore, #tpu.memory_space<semaphore_mem>> -> memref<!tpu.dma_semaphore, #tpu.memory_space<semaphore_mem>>
    tpu.wait_indirect_dma semaphore(%dma_wait3A_153 : memref<!tpu.dma_semaphore, #tpu.memory_space<semaphore_mem>>) src(%dma_wait3A_151 : memref<1000x128xf32, #tpu.memory_space<hbm>>) dst(%dma_wait3A_145 : memref<128x128xf32, #tpu.memory_space<vmem>>)
    %mul3A_154 = arith.constant 2 : i32
    %mul3A_155 = arith.muli %add3A, %mul3A_154 : i32
    %add3A_156 = arith.constant 1 : i32
    %add3A_157 = arith.addi %mul3A_155, %add3A_156 : i32
    %mul3A_158 = arith.constant 128 : i32
    %mul3A_159 = arith.muli %add3A_157, %mul3A_158 : i32
    %dma_start3A_160 = arith.constant 1 : i32
    %dma_start3A_161 = arith.constant 0 : i32
    %dma_start3A_162 = arith.constant 1 : i32
    %dma_start3A_163 = arith.constant 0 : i32
    %dma_start3A_164 = arith.constant 0 : i32
    %dma_start3A_165 = tpu.memref_slice %arg8[%dma_start3A_160, %dma_start3A_163, %dma_start3A_164] : memref<6x128x128xf32, #tpu.memory_space<vmem>> -> memref<1x128x128xf32, #tpu.memory_space<vmem>>
    %dma_start3A_166 = tpu.memref_squeeze %dma_start3A_165 : memref<1x128x128xf32, #tpu.memory_space<vmem>> -> memref<128x128xf32, #tpu.memory_space<vmem>>
    %dma_start3A_167 = arith.constant 0 : i32
    %dma_start3A_168 = tpu.memref_slice %arg6[%dma_start3A_161, %mul3A_159, %dma_start3A_167] : memref<3x8192x128xf32, #tpu.memory_space<hbm>> -> memref<1x128x128xf32, #tpu.memory_space<hbm>>
    %dma_start3A_169 = tpu.memref_squeeze %dma_start3A_168 : memref<1x128x128xf32, #tpu.memory_space<hbm>> -> memref<128x128xf32, #tpu.memory_space<hbm>>
    %dma_start3A_170 = tpu.memref_slice %arg10[%dma_start3A_162] : memref<6x!tpu.dma_semaphore, #tpu.memory_space<semaphore_mem>> -> memref<1x!tpu.dma_semaphore, #tpu.memory_space<semaphore_mem>>
    %dma_start3A_171 = tpu.memref_squeeze %dma_start3A_170 : memref<1x!tpu.dma_semaphore, #tpu.memory_space<semaphore_mem>> -> memref<!tpu.dma_semaphore, #tpu.memory_space<semaphore_mem>>
    %dma_start3A_172 = arith.constant 0 : i32
    %dma_start3A_173 = tpu.memref_slice %arg6[%dma_start3A_161, %mul3A_159, %dma_start3A_172] : memref<3x8192x128xf32, #tpu.memory_space<hbm>> -> memref<1x128x128xf32, #tpu.memory_space<hbm>>
    %dma_start3A_174 = tpu.memref_squeeze %dma_start3A_173 : memref<1x128x128xf32, #tpu.memory_space<hbm>> -> memref<128x128xf32, #tpu.memory_space<hbm>>
    %dma_start3A_175 = arith.constant 0 : i32
    %dma_start3A_176 = arith.constant 0 : i32
    %dma_start3A_177 = tpu.memref_slice %arg8[%dma_start3A_160, %dma_start3A_175, %dma_start3A_176] : memref<6x128x128xf32, #tpu.memory_space<vmem>> -> memref<1x128x128xf32, #tpu.memory_space<vmem>>
    %dma_start3A_178 = tpu.memref_squeeze %dma_start3A_177 : memref<1x128x128xf32, #tpu.memory_space<vmem>> -> memref<128x128xf32, #tpu.memory_space<vmem>>
    tpu.enqueue_dma source(%dma_start3A_178 : memref<128x128xf32, #tpu.memory_space<vmem>>) target(%dma_start3A_174 : memref<128x128xf32, #tpu.memory_space<hbm>>) target_semaphore(%dma_start3A_171 : memref<!tpu.dma_semaphore, #tpu.memory_space<semaphore_mem>>)
    %dma_wait3A_179 = arith.constant 0 : i32
    %dma_wait3A_180 = arith.constant 1 : i32
    %dma_wait3A_181 = arith.constant 2 : i32
    %dma_wait3A_182 = arith.constant 2 : i32
    %dma_wait3A_183 = arith.constant 0 : i32
    %dma_wait3A_184 = arith.constant 0 : i32
    %dma_wait3A_185 = tpu.memref_slice %arg8[%dma_wait3A_181, %dma_wait3A_183, %dma_wait3A_184] : memref<6x128x128xf32, #tpu.memory_space<vmem>> -> memref<1x128x128xf32, #tpu.memory_space<vmem>>
    %dma_wait3A_186 = tpu.memref_squeeze %dma_wait3A_185 : memref<1x128x128xf32, #tpu.memory_space<vmem>> -> memref<128x128xf32, #tpu.memory_space<vmem>>
    %dma_wait3A_187 = arith.constant 0 : i32
    %dma_wait3A_188 = tpu.memref_slice %arg7[%dma_wait3A_179, %dma_wait3A_180, %dma_wait3A_187] : memref<2x3x128xi32, #tpu.memory_space<vmem>> -> memref<1x1x128xi32, #tpu.memory_space<vmem>>
    %dma_wait3A_189 = tpu.memref_squeeze %dma_wait3A_188 : memref<1x1x128xi32, #tpu.memory_space<vmem>> -> memref<128xi32, #tpu.memory_space<vmem>>
    %dma_wait3A_190 = arith.constant 0 : i32
    %dma_wait3A_191 = arith.constant 0 : i32
    %dma_wait3A_192 = tpu.memref_slice %arg4[%dma_wait3A_190, %dma_wait3A_191] : memref<100000x128xf32, #tpu.memory_space<hbm>> -> memref<100000x128xf32, #tpu.memory_space<hbm>>
    %dma_wait3A_193 = tpu.memref_slice %arg9[%dma_wait3A_182] : memref<6x!tpu.dma_semaphore, #tpu.memory_space<semaphore_mem>> -> memref<1x!tpu.dma_semaphore, #tpu.memory_space<semaphore_mem>>
    %dma_wait3A_194 = tpu.memref_squeeze %dma_wait3A_193 : memref<1x!tpu.dma_semaphore, #tpu.memory_space<semaphore_mem>> -> memref<!tpu.dma_semaphore, #tpu.memory_space<semaphore_mem>>
    tpu.wait_indirect_dma semaphore(%dma_wait3A_194 : memref<!tpu.dma_semaphore, #tpu.memory_space<semaphore_mem>>) src(%dma_wait3A_192 : memref<100000x128xf32, #tpu.memory_space<hbm>>) dst(%dma_wait3A_186 : memref<128x128xf32, #tpu.memory_space<vmem>>)
    %mul3A_195 = arith.constant 2 : i32
    %mul3A_196 = arith.muli %add3A, %mul3A_195 : i32
    %add3A_197 = arith.constant 0 : i32
    %add3A_198 = arith.addi %mul3A_196, %add3A_197 : i32
    %mul3A_199 = arith.constant 128 : i32
    %mul3A_200 = arith.muli %add3A_198, %mul3A_199 : i32
    %dma_start3A_201 = arith.constant 2 : i32
    %dma_start3A_202 = arith.constant 1 : i32
    %dma_start3A_203 = arith.constant 2 : i32
    %dma_start3A_204 = arith.constant 0 : i32
    %dma_start3A_205 = arith.constant 0 : i32
    %dma_start3A_206 = tpu.memref_slice %arg8[%dma_start3A_201, %dma_start3A_204, %dma_start3A_205] : memref<6x128x128xf32, #tpu.memory_space<vmem>> -> memref<1x128x128xf32, #tpu.memory_space<vmem>>
    %dma_start3A_207 = tpu.memref_squeeze %dma_start3A_206 : memref<1x128x128xf32, #tpu.memory_space<vmem>> -> memref<128x128xf32, #tpu.memory_space<vmem>>
    %dma_start3A_208 = arith.constant 0 : i32
    %dma_start3A_209 = tpu.memref_slice %arg6[%dma_start3A_202, %mul3A_200, %dma_start3A_208] : memref<3x8192x128xf32, #tpu.memory_space<hbm>> -> memref<1x128x128xf32, #tpu.memory_space<hbm>>
    %dma_start3A_210 = tpu.memref_squeeze %dma_start3A_209 : memref<1x128x128xf32, #tpu.memory_space<hbm>> -> memref<128x128xf32, #tpu.memory_space<hbm>>
    %dma_start3A_211 = tpu.memref_slice %arg10[%dma_start3A_203] : memref<6x!tpu.dma_semaphore, #tpu.memory_space<semaphore_mem>> -> memref<1x!tpu.dma_semaphore, #tpu.memory_space<semaphore_mem>>
    %dma_start3A_212 = tpu.memref_squeeze %dma_start3A_211 : memref<1x!tpu.dma_semaphore, #tpu.memory_space<semaphore_mem>> -> memref<!tpu.dma_semaphore, #tpu.memory_space<semaphore_mem>>
    %dma_start3A_213 = arith.constant 0 : i32
    %dma_start3A_214 = tpu.memref_slice %arg6[%dma_start3A_202, %mul3A_200, %dma_start3A_213] : memref<3x8192x128xf32, #tpu.memory_space<hbm>> -> memref<1x128x128xf32, #tpu.memory_space<hbm>>
    %dma_start3A_215 = tpu.memref_squeeze %dma_start3A_214 : memref<1x128x128xf32, #tpu.memory_space<hbm>> -> memref<128x128xf32, #tpu.memory_space<hbm>>
    %dma_start3A_216 = arith.constant 0 : i32
    %dma_start3A_217 = arith.constant 0 : i32
    %dma_start3A_218 = tpu.memref_slice %arg8[%dma_start3A_201, %dma_start3A_216, %dma_start3A_217] : memref<6x128x128xf32, #tpu.memory_space<vmem>> -> memref<1x128x128xf32, #tpu.memory_space<vmem>>
    %dma_start3A_219 = tpu.memref_squeeze %dma_start3A_218 : memref<1x128x128xf32, #tpu.memory_space<vmem>> -> memref<128x128xf32, #tpu.memory_space<vmem>>
    tpu.enqueue_dma source(%dma_start3A_219 : memref<128x128xf32, #tpu.memory_space<vmem>>) target(%dma_start3A_215 : memref<128x128xf32, #tpu.memory_space<hbm>>) target_semaphore(%dma_start3A_212 : memref<!tpu.dma_semaphore, #tpu.memory_space<semaphore_mem>>)
    %dma_wait3A_220 = arith.constant 1 : i32
    %dma_wait3A_221 = arith.constant 1 : i32
    %dma_wait3A_222 = arith.constant 3 : i32
    %dma_wait3A_223 = arith.constant 3 : i32
    %dma_wait3A_224 = arith.constant 0 : i32
    %dma_wait3A_225 = arith.constant 0 : i32
    %dma_wait3A_226 = tpu.memref_slice %arg8[%dma_wait3A_222, %dma_wait3A_224, %dma_wait3A_225] : memref<6x128x128xf32, #tpu.memory_space<vmem>> -> memref<1x128x128xf32, #tpu.memory_space<vmem>>
    %dma_wait3A_227 = tpu.memref_squeeze %dma_wait3A_226 : memref<1x128x128xf32, #tpu.memory_space<vmem>> -> memref<128x128xf32, #tpu.memory_space<vmem>>
    %dma_wait3A_228 = arith.constant 0 : i32
    %dma_wait3A_229 = tpu.memref_slice %arg7[%dma_wait3A_220, %dma_wait3A_221, %dma_wait3A_228] : memref<2x3x128xi32, #tpu.memory_space<vmem>> -> memref<1x1x128xi32, #tpu.memory_space<vmem>>
    %dma_wait3A_230 = tpu.memref_squeeze %dma_wait3A_229 : memref<1x1x128xi32, #tpu.memory_space<vmem>> -> memref<128xi32, #tpu.memory_space<vmem>>
    %dma_wait3A_231 = arith.constant 0 : i32
    %dma_wait3A_232 = arith.constant 0 : i32
    %dma_wait3A_233 = tpu.memref_slice %arg4[%dma_wait3A_231, %dma_wait3A_232] : memref<100000x128xf32, #tpu.memory_space<hbm>> -> memref<100000x128xf32, #tpu.memory_space<hbm>>
    %dma_wait3A_234 = tpu.memref_slice %arg9[%dma_wait3A_223] : memref<6x!tpu.dma_semaphore, #tpu.memory_space<semaphore_mem>> -> memref<1x!tpu.dma_semaphore, #tpu.memory_space<semaphore_mem>>
    %dma_wait3A_235 = tpu.memref_squeeze %dma_wait3A_234 : memref<1x!tpu.dma_semaphore, #tpu.memory_space<semaphore_mem>> -> memref<!tpu.dma_semaphore, #tpu.memory_space<semaphore_mem>>
    tpu.wait_indirect_dma semaphore(%dma_wait3A_235 : memref<!tpu.dma_semaphore, #tpu.memory_space<semaphore_mem>>) src(%dma_wait3A_233 : memref<100000x128xf32, #tpu.memory_space<hbm>>) dst(%dma_wait3A_227 : memref<128x128xf32, #tpu.memory_space<vmem>>)
    %mul3A_236 = arith.constant 2 : i32
    %mul3A_237 = arith.muli %add3A, %mul3A_236 : i32
    %add3A_238 = arith.constant 1 : i32
    %add3A_239 = arith.addi %mul3A_237, %add3A_238 : i32
    %mul3A_240 = arith.constant 128 : i32
    %mul3A_241 = arith.muli %add3A_239, %mul3A_240 : i32
    %dma_start3A_242 = arith.constant 3 : i32
    %dma_start3A_243 = arith.constant 1 : i32
    %dma_start3A_244 = arith.constant 3 : i32
    %dma_start3A_245 = arith.constant 0 : i32
    %dma_start3A_246 = arith.constant 0 : i32
    %dma_start3A_247 = tpu.memref_slice %arg8[%dma_start3A_242, %dma_start3A_245, %dma_start3A_246] : memref<6x128x128xf32, #tpu.memory_space<vmem>> -> memref<1x128x128xf32, #tpu.memory_space<vmem>>
    %dma_start3A_248 = tpu.memref_squeeze %dma_start3A_247 : memref<1x128x128xf32, #tpu.memory_space<vmem>> -> memref<128x128xf32, #tpu.memory_space<vmem>>
    %dma_start3A_249 = arith.constant 0 : i32
    %dma_start3A_250 = tpu.memref_slice %arg6[%dma_start3A_243, %mul3A_241, %dma_start3A_249] : memref<3x8192x128xf32, #tpu.memory_space<hbm>> -> memref<1x128x128xf32, #tpu.memory_space<hbm>>
    %dma_start3A_251 = tpu.memref_squeeze %dma_start3A_250 : memref<1x128x128xf32, #tpu.memory_space<hbm>> -> memref<128x128xf32, #tpu.memory_space<hbm>>
    %dma_start3A_252 = tpu.memref_slice %arg10[%dma_start3A_244] : memref<6x!tpu.dma_semaphore, #tpu.memory_space<semaphore_mem>> -> memref<1x!tpu.dma_semaphore, #tpu.memory_space<semaphore_mem>>
    %dma_start3A_253 = tpu.memref_squeeze %dma_start3A_252 : memref<1x!tpu.dma_semaphore, #tpu.memory_space<semaphore_mem>> -> memref<!tpu.dma_semaphore, #tpu.memory_space<semaphore_mem>>
    %dma_start3A_254 = arith.constant 0 : i32
    %dma_start3A_255 = tpu.memref_slice %arg6[%dma_start3A_243, %mul3A_241, %dma_start3A_254] : memref<3x8192x128xf32, #tpu.memory_space<hbm>> -> memref<1x128x128xf32, #tpu.memory_space<hbm>>
    %dma_start3A_256 = tpu.memref_squeeze %dma_start3A_255 : memref<1x128x128xf32, #tpu.memory_space<hbm>> -> memref<128x128xf32, #tpu.memory_space<hbm>>
    %dma_start3A_257 = arith.constant 0 : i32
    %dma_start3A_258 = arith.constant 0 : i32
    %dma_start3A_259 = tpu.memref_slice %arg8[%dma_start3A_242, %dma_start3A_257, %dma_start3A_258] : memref<6x128x128xf32, #tpu.memory_space<vmem>> -> memref<1x128x128xf32, #tpu.memory_space<vmem>>
    %dma_start3A_260 = tpu.memref_squeeze %dma_start3A_259 : memref<1x128x128xf32, #tpu.memory_space<vmem>> -> memref<128x128xf32, #tpu.memory_space<vmem>>
    tpu.enqueue_dma source(%dma_start3A_260 : memref<128x128xf32, #tpu.memory_space<vmem>>) target(%dma_start3A_256 : memref<128x128xf32, #tpu.memory_space<hbm>>) target_semaphore(%dma_start3A_253 : memref<!tpu.dma_semaphore, #tpu.memory_space<semaphore_mem>>)
    %dma_wait3A_261 = arith.constant 0 : i32
    %dma_wait3A_262 = arith.constant 2 : i32
    %dma_wait3A_263 = arith.constant 4 : i32
    %dma_wait3A_264 = arith.constant 4 : i32
    %dma_wait3A_265 = arith.constant 0 : i32
    %dma_wait3A_266 = arith.constant 0 : i32
    %dma_wait3A_267 = tpu.memref_slice %arg8[%dma_wait3A_263, %dma_wait3A_265, %dma_wait3A_266] : memref<6x128x128xf32, #tpu.memory_space<vmem>> -> memref<1x128x128xf32, #tpu.memory_space<vmem>>
    %dma_wait3A_268 = tpu.memref_squeeze %dma_wait3A_267 : memref<1x128x128xf32, #tpu.memory_space<vmem>> -> memref<128x128xf32, #tpu.memory_space<vmem>>
    %dma_wait3A_269 = arith.constant 0 : i32
    %dma_wait3A_270 = tpu.memref_slice %arg7[%dma_wait3A_261, %dma_wait3A_262, %dma_wait3A_269] : memref<2x3x128xi32, #tpu.memory_space<vmem>> -> memref<1x1x128xi32, #tpu.memory_space<vmem>>
    %dma_wait3A_271 = tpu.memref_squeeze %dma_wait3A_270 : memref<1x1x128xi32, #tpu.memory_space<vmem>> -> memref<128xi32, #tpu.memory_space<vmem>>
    %dma_wait3A_272 = arith.constant 0 : i32
    %dma_wait3A_273 = arith.constant 0 : i32
    %dma_wait3A_274 = tpu.memref_slice %arg5[%dma_wait3A_272, %dma_wait3A_273] : memref<1000x128xf32, #tpu.memory_space<hbm>> -> memref<1000x128xf32, #tpu.memory_space<hbm>>
    %dma_wait3A_275 = tpu.memref_slice %arg9[%dma_wait3A_264] : memref<6x!tpu.dma_semaphore, #tpu.memory_space<semaphore_mem>> -> memref<1x!tpu.dma_semaphore, #tpu.memory_space<semaphore_mem>>
    %dma_wait3A_276 = tpu.memref_squeeze %dma_wait3A_275 : memref<1x!tpu.dma_semaphore, #tpu.memory_space<semaphore_mem>> -> memref<!tpu.dma_semaphore, #tpu.memory_space<semaphore_mem>>
    tpu.wait_indirect_dma semaphore(%dma_wait3A_276 : memref<!tpu.dma_semaphore, #tpu.memory_space<semaphore_mem>>) src(%dma_wait3A_274 : memref<1000x128xf32, #tpu.memory_space<hbm>>) dst(%dma_wait3A_268 : memref<128x128xf32, #tpu.memory_space<vmem>>)
    %mul3A_277 = arith.constant 2 : i32
    %mul3A_278 = arith.muli %add3A, %mul3A_277 : i32
    %add3A_279 = arith.constant 0 : i32
    %add3A_280 = arith.addi %mul3A_278, %add3A_279 : i32
    %mul3A_281 = arith.constant 128 : i32
    %mul3A_282 = arith.muli %add3A_280, %mul3A_281 : i32
    %dma_start3A_283 = arith.constant 4 : i32
    %dma_start3A_284 = arith.constant 2 : i32
    %dma_start3A_285 = arith.constant 4 : i32
    %dma_start3A_286 = arith.constant 0 : i32
    %dma_start3A_287 = arith.constant 0 : i32
    %dma_start3A_288 = tpu.memref_slice %arg8[%dma_start3A_283, %dma_start3A_286, %dma_start3A_287] : memref<6x128x128xf32, #tpu.memory_space<vmem>> -> memref<1x128x128xf32, #tpu.memory_space<vmem>>
    %dma_start3A_289 = tpu.memref_squeeze %dma_start3A_288 : memref<1x128x128xf32, #tpu.memory_space<vmem>> -> memref<128x128xf32, #tpu.memory_space<vmem>>
    %dma_start3A_290 = arith.constant 0 : i32
    %dma_start3A_291 = tpu.memref_slice %arg6[%dma_start3A_284, %mul3A_282, %dma_start3A_290] : memref<3x8192x128xf32, #tpu.memory_space<hbm>> -> memref<1x128x128xf32, #tpu.memory_space<hbm>>
    %dma_start3A_292 = tpu.memref_squeeze %dma_start3A_291 : memref<1x128x128xf32, #tpu.memory_space<hbm>> -> memref<128x128xf32, #tpu.memory_space<hbm>>
    %dma_start3A_293 = tpu.memref_slice %arg10[%dma_start3A_285] : memref<6x!tpu.dma_semaphore, #tpu.memory_space<semaphore_mem>> -> memref<1x!tpu.dma_semaphore, #tpu.memory_space<semaphore_mem>>
    %dma_start3A_294 = tpu.memref_squeeze %dma_start3A_293 : memref<1x!tpu.dma_semaphore, #tpu.memory_space<semaphore_mem>> -> memref<!tpu.dma_semaphore, #tpu.memory_space<semaphore_mem>>
    %dma_start3A_295 = arith.constant 0 : i32
    %dma_start3A_296 = tpu.memref_slice %arg6[%dma_start3A_284, %mul3A_282, %dma_start3A_295] : memref<3x8192x128xf32, #tpu.memory_space<hbm>> -> memref<1x128x128xf32, #tpu.memory_space<hbm>>
    %dma_start3A_297 = tpu.memref_squeeze %dma_start3A_296 : memref<1x128x128xf32, #tpu.memory_space<hbm>> -> memref<128x128xf32, #tpu.memory_space<hbm>>
    %dma_start3A_298 = arith.constant 0 : i32
    %dma_start3A_299 = arith.constant 0 : i32
    %dma_start3A_300 = tpu.memref_slice %arg8[%dma_start3A_283, %dma_start3A_298, %dma_start3A_299] : memref<6x128x128xf32, #tpu.memory_space<vmem>> -> memref<1x128x128xf32, #tpu.memory_space<vmem>>
    %dma_start3A_301 = tpu.memref_squeeze %dma_start3A_300 : memref<1x128x128xf32, #tpu.memory_space<vmem>> -> memref<128x128xf32, #tpu.memory_space<vmem>>
    tpu.enqueue_dma source(%dma_start3A_301 : memref<128x128xf32, #tpu.memory_space<vmem>>) target(%dma_start3A_297 : memref<128x128xf32, #tpu.memory_space<hbm>>) target_semaphore(%dma_start3A_294 : memref<!tpu.dma_semaphore, #tpu.memory_space<semaphore_mem>>)
    %dma_wait3A_302 = arith.constant 1 : i32
    %dma_wait3A_303 = arith.constant 2 : i32
    %dma_wait3A_304 = arith.constant 5 : i32
    %dma_wait3A_305 = arith.constant 5 : i32
    %dma_wait3A_306 = arith.constant 0 : i32
    %dma_wait3A_307 = arith.constant 0 : i32
    %dma_wait3A_308 = tpu.memref_slice %arg8[%dma_wait3A_304, %dma_wait3A_306, %dma_wait3A_307] : memref<6x128x128xf32, #tpu.memory_space<vmem>> -> memref<1x128x128xf32, #tpu.memory_space<vmem>>
    %dma_wait3A_309 = tpu.memref_squeeze %dma_wait3A_308 : memref<1x128x128xf32, #tpu.memory_space<vmem>> -> memref<128x128xf32, #tpu.memory_space<vmem>>
    %dma_wait3A_310 = arith.constant 0 : i32
    %dma_wait3A_311 = tpu.memref_slice %arg7[%dma_wait3A_302, %dma_wait3A_303, %dma_wait3A_310] : memref<2x3x128xi32, #tpu.memory_space<vmem>> -> memref<1x1x128xi32, #tpu.memory_space<vmem>>
    %dma_wait3A_312 = tpu.memref_squeeze %dma_wait3A_311 : memref<1x1x128xi32, #tpu.memory_space<vmem>> -> memref<128xi32, #tpu.memory_space<vmem>>
    %dma_wait3A_313 = arith.constant 0 : i32
    %dma_wait3A_314 = arith.constant 0 : i32
    %dma_wait3A_315 = tpu.memref_slice %arg5[%dma_wait3A_313, %dma_wait3A_314] : memref<1000x128xf32, #tpu.memory_space<hbm>> -> memref<1000x128xf32, #tpu.memory_space<hbm>>
    %dma_wait3A_316 = tpu.memref_slice %arg9[%dma_wait3A_305] : memref<6x!tpu.dma_semaphore, #tpu.memory_space<semaphore_mem>> -> memref<1x!tpu.dma_semaphore, #tpu.memory_space<semaphore_mem>>
    %dma_wait3A_317 = tpu.memref_squeeze %dma_wait3A_316 : memref<1x!tpu.dma_semaphore, #tpu.memory_space<semaphore_mem>> -> memref<!tpu.dma_semaphore, #tpu.memory_space<semaphore_mem>>
    tpu.wait_indirect_dma semaphore(%dma_wait3A_317 : memref<!tpu.dma_semaphore, #tpu.memory_space<semaphore_mem>>) src(%dma_wait3A_315 : memref<1000x128xf32, #tpu.memory_space<hbm>>) dst(%dma_wait3A_309 : memref<128x128xf32, #tpu.memory_space<vmem>>)
    %mul3A_318 = arith.constant 2 : i32
    %mul3A_319 = arith.muli %add3A, %mul3A_318 : i32
    %add3A_320 = arith.constant 1 : i32
    %add3A_321 = arith.addi %mul3A_319, %add3A_320 : i32
    %mul3A_322 = arith.constant 128 : i32
    %mul3A_323 = arith.muli %add3A_321, %mul3A_322 : i32
    %dma_start3A_324 = arith.constant 5 : i32
    %dma_start3A_325 = arith.constant 2 : i32
    %dma_start3A_326 = arith.constant 5 : i32
    %dma_start3A_327 = arith.constant 0 : i32
    %dma_start3A_328 = arith.constant 0 : i32
    %dma_start3A_329 = tpu.memref_slice %arg8[%dma_start3A_324, %dma_start3A_327, %dma_start3A_328] : memref<6x128x128xf32, #tpu.memory_space<vmem>> -> memref<1x128x128xf32, #tpu.memory_space<vmem>>
    %dma_start3A_330 = tpu.memref_squeeze %dma_start3A_329 : memref<1x128x128xf32, #tpu.memory_space<vmem>> -> memref<128x128xf32, #tpu.memory_space<vmem>>
    %dma_start3A_331 = arith.constant 0 : i32
    %dma_start3A_332 = tpu.memref_slice %arg6[%dma_start3A_325, %mul3A_323, %dma_start3A_331] : memref<3x8192x128xf32, #tpu.memory_space<hbm>> -> memref<1x128x128xf32, #tpu.memory_space<hbm>>
    %dma_start3A_333 = tpu.memref_squeeze %dma_start3A_332 : memref<1x128x128xf32, #tpu.memory_space<hbm>> -> memref<128x128xf32, #tpu.memory_space<hbm>>
    %dma_start3A_334 = tpu.memref_slice %arg10[%dma_start3A_326] : memref<6x!tpu.dma_semaphore, #tpu.memory_space<semaphore_mem>> -> memref<1x!tpu.dma_semaphore, #tpu.memory_space<semaphore_mem>>
    %dma_start3A_335 = tpu.memref_squeeze %dma_start3A_334 : memref<1x!tpu.dma_semaphore, #tpu.memory_space<semaphore_mem>> -> memref<!tpu.dma_semaphore, #tpu.memory_space<semaphore_mem>>
    %dma_start3A_336 = arith.constant 0 : i32
    %dma_start3A_337 = tpu.memref_slice %arg6[%dma_start3A_325, %mul3A_323, %dma_start3A_336] : memref<3x8192x128xf32, #tpu.memory_space<hbm>> -> memref<1x128x128xf32, #tpu.memory_space<hbm>>
    %dma_start3A_338 = tpu.memref_squeeze %dma_start3A_337 : memref<1x128x128xf32, #tpu.memory_space<hbm>> -> memref<128x128xf32, #tpu.memory_space<hbm>>
    %dma_start3A_339 = arith.constant 0 : i32
    %dma_start3A_340 = arith.constant 0 : i32
    %dma_start3A_341 = tpu.memref_slice %arg8[%dma_start3A_324, %dma_start3A_339, %dma_start3A_340] : memref<6x128x128xf32, #tpu.memory_space<vmem>> -> memref<1x128x128xf32, #tpu.memory_space<vmem>>
    %dma_start3A_342 = tpu.memref_squeeze %dma_start3A_341 : memref<1x128x128xf32, #tpu.memory_space<vmem>> -> memref<128x128xf32, #tpu.memory_space<vmem>>
    tpu.enqueue_dma source(%dma_start3A_342 : memref<128x128xf32, #tpu.memory_space<vmem>>) target(%dma_start3A_338 : memref<128x128xf32, #tpu.memory_space<hbm>>) target_semaphore(%dma_start3A_335 : memref<!tpu.dma_semaphore, #tpu.memory_space<semaphore_mem>>)
    %dma_wait3A_343 = arith.constant 0 : i32
    %dma_wait3A_344 = arith.constant 0 : i32
    %dma_wait3A_345 = arith.constant 0 : i32
    %dma_wait3A_346 = arith.constant 0 : i32
    %dma_wait3A_347 = arith.constant 0 : i32
    %dma_wait3A_348 = tpu.memref_slice %arg8[%dma_wait3A_343, %dma_wait3A_346, %dma_wait3A_347] : memref<6x128x128xf32, #tpu.memory_space<vmem>> -> memref<1x128x128xf32, #tpu.memory_space<vmem>>
    %dma_wait3A_349 = tpu.memref_squeeze %dma_wait3A_348 : memref<1x128x128xf32, #tpu.memory_space<vmem>> -> memref<128x128xf32, #tpu.memory_space<vmem>>
    %dma_wait3A_350 = arith.constant 0 : i32
    %dma_wait3A_351 = tpu.memref_slice %arg6[%dma_wait3A_344, %mul3A_118, %dma_wait3A_350] : memref<3x8192x128xf32, #tpu.memory_space<hbm>> -> memref<1x128x128xf32, #tpu.memory_space<hbm>>
    %dma_wait3A_352 = tpu.memref_squeeze %dma_wait3A_351 : memref<1x128x128xf32, #tpu.memory_space<hbm>> -> memref<128x128xf32, #tpu.memory_space<hbm>>
    %dma_wait3A_353 = tpu.memref_slice %arg10[%dma_wait3A_345] : memref<6x!tpu.dma_semaphore, #tpu.memory_space<semaphore_mem>> -> memref<1x!tpu.dma_semaphore, #tpu.memory_space<semaphore_mem>>
    %dma_wait3A_354 = tpu.memref_squeeze %dma_wait3A_353 : memref<1x!tpu.dma_semaphore, #tpu.memory_space<semaphore_mem>> -> memref<!tpu.dma_semaphore, #tpu.memory_space<semaphore_mem>>
    %dma_wait3A_355 = arith.constant 0 : i32
    %dma_wait3A_356 = tpu.memref_slice %arg6[%dma_wait3A_344, %mul3A_118, %dma_wait3A_355] : memref<3x8192x128xf32, #tpu.memory_space<hbm>> -> memref<1x128x128xf32, #tpu.memory_space<hbm>>
    %dma_wait3A_357 = tpu.memref_squeeze %dma_wait3A_356 : memref<1x128x128xf32, #tpu.memory_space<hbm>> -> memref<128x128xf32, #tpu.memory_space<hbm>>
    %dma_wait3A_358 = arith.constant 0 : i32
    %dma_wait3A_359 = arith.constant 0 : i32
    %dma_wait3A_360 = tpu.memref_slice %arg8[%dma_wait3A_343, %dma_wait3A_358, %dma_wait3A_359] : memref<6x128x128xf32, #tpu.memory_space<vmem>> -> memref<1x128x128xf32, #tpu.memory_space<vmem>>
    %dma_wait3A_361 = tpu.memref_squeeze %dma_wait3A_360 : memref<1x128x128xf32, #tpu.memory_space<vmem>> -> memref<128x128xf32, #tpu.memory_space<vmem>>
    tpu.wait_dma2 semaphore(%dma_wait3A_354 : memref<!tpu.dma_semaphore, #tpu.memory_space<semaphore_mem>>) src(%dma_wait3A_361 : memref<128x128xf32, #tpu.memory_space<vmem>>) dst(%dma_wait3A_357 : memref<128x128xf32, #tpu.memory_space<hbm>>)
    %dma_wait3A_362 = arith.constant 1 : i32
    %dma_wait3A_363 = arith.constant 0 : i32
    %dma_wait3A_364 = arith.constant 1 : i32
    %dma_wait3A_365 = arith.constant 0 : i32
    %dma_wait3A_366 = arith.constant 0 : i32
    %dma_wait3A_367 = tpu.memref_slice %arg8[%dma_wait3A_362, %dma_wait3A_365, %dma_wait3A_366] : memref<6x128x128xf32, #tpu.memory_space<vmem>> -> memref<1x128x128xf32, #tpu.memory_space<vmem>>
    %dma_wait3A_368 = tpu.memref_squeeze %dma_wait3A_367 : memref<1x128x128xf32, #tpu.memory_space<vmem>> -> memref<128x128xf32, #tpu.memory_space<vmem>>
    %dma_wait3A_369 = arith.constant 0 : i32
    %dma_wait3A_370 = tpu.memref_slice %arg6[%dma_wait3A_363, %mul3A_159, %dma_wait3A_369] : memref<3x8192x128xf32, #tpu.memory_space<hbm>> -> memref<1x128x128xf32, #tpu.memory_space<hbm>>
    %dma_wait3A_371 = tpu.memref_squeeze %dma_wait3A_370 : memref<1x128x128xf32, #tpu.memory_space<hbm>> -> memref<128x128xf32, #tpu.memory_space<hbm>>
    %dma_wait3A_372 = tpu.memref_slice %arg10[%dma_wait3A_364] : memref<6x!tpu.dma_semaphore, #tpu.memory_space<semaphore_mem>> -> memref<1x!tpu.dma_semaphore, #tpu.memory_space<semaphore_mem>>
    %dma_wait3A_373 = tpu.memref_squeeze %dma_wait3A_372 : memref<1x!tpu.dma_semaphore, #tpu.memory_space<semaphore_mem>> -> memref<!tpu.dma_semaphore, #tpu.memory_space<semaphore_mem>>
    %dma_wait3A_374 = arith.constant 0 : i32
    %dma_wait3A_375 = tpu.memref_slice %arg6[%dma_wait3A_363, %mul3A_159, %dma_wait3A_374] : memref<3x8192x128xf32, #tpu.memory_space<hbm>> -> memref<1x128x128xf32, #tpu.memory_space<hbm>>
    %dma_wait3A_376 = tpu.memref_squeeze %dma_wait3A_375 : memref<1x128x128xf32, #tpu.memory_space<hbm>> -> memref<128x128xf32, #tpu.memory_space<hbm>>
    %dma_wait3A_377 = arith.constant 0 : i32
    %dma_wait3A_378 = arith.constant 0 : i32
    %dma_wait3A_379 = tpu.memref_slice %arg8[%dma_wait3A_362, %dma_wait3A_377, %dma_wait3A_378] : memref<6x128x128xf32, #tpu.memory_space<vmem>> -> memref<1x128x128xf32, #tpu.memory_space<vmem>>
    %dma_wait3A_380 = tpu.memref_squeeze %dma_wait3A_379 : memref<1x128x128xf32, #tpu.memory_space<vmem>> -> memref<128x128xf32, #tpu.memory_space<vmem>>
    tpu.wait_dma2 semaphore(%dma_wait3A_373 : memref<!tpu.dma_semaphore, #tpu.memory_space<semaphore_mem>>) src(%dma_wait3A_380 : memref<128x128xf32, #tpu.memory_space<vmem>>) dst(%dma_wait3A_376 : memref<128x128xf32, #tpu.memory_space<hbm>>)
    %dma_wait3A_381 = arith.constant 2 : i32
    %dma_wait3A_382 = arith.constant 1 : i32
    %dma_wait3A_383 = arith.constant 2 : i32
    %dma_wait3A_384 = arith.constant 0 : i32
    %dma_wait3A_385 = arith.constant 0 : i32
    %dma_wait3A_386 = tpu.memref_slice %arg8[%dma_wait3A_381, %dma_wait3A_384, %dma_wait3A_385] : memref<6x128x128xf32, #tpu.memory_space<vmem>> -> memref<1x128x128xf32, #tpu.memory_space<vmem>>
    %dma_wait3A_387 = tpu.memref_squeeze %dma_wait3A_386 : memref<1x128x128xf32, #tpu.memory_space<vmem>> -> memref<128x128xf32, #tpu.memory_space<vmem>>
    %dma_wait3A_388 = arith.constant 0 : i32
    %dma_wait3A_389 = tpu.memref_slice %arg6[%dma_wait3A_382, %mul3A_200, %dma_wait3A_388] : memref<3x8192x128xf32, #tpu.memory_space<hbm>> -> memref<1x128x128xf32, #tpu.memory_space<hbm>>
    %dma_wait3A_390 = tpu.memref_squeeze %dma_wait3A_389 : memref<1x128x128xf32, #tpu.memory_space<hbm>> -> memref<128x128xf32, #tpu.memory_space<hbm>>
    %dma_wait3A_391 = tpu.memref_slice %arg10[%dma_wait3A_383] : memref<6x!tpu.dma_semaphore, #tpu.memory_space<semaphore_mem>> -> memref<1x!tpu.dma_semaphore, #tpu.memory_space<semaphore_mem>>
    %dma_wait3A_392 = tpu.memref_squeeze %dma_wait3A_391 : memref<1x!tpu.dma_semaphore, #tpu.memory_space<semaphore_mem>> -> memref<!tpu.dma_semaphore, #tpu.memory_space<semaphore_mem>>
    %dma_wait3A_393 = arith.constant 0 : i32
    %dma_wait3A_394 = tpu.memref_slice %arg6[%dma_wait3A_382, %mul3A_200, %dma_wait3A_393] : memref<3x8192x128xf32, #tpu.memory_space<hbm>> -> memref<1x128x128xf32, #tpu.memory_space<hbm>>
    %dma_wait3A_395 = tpu.memref_squeeze %dma_wait3A_394 : memref<1x128x128xf32, #tpu.memory_space<hbm>> -> memref<128x128xf32, #tpu.memory_space<hbm>>
    %dma_wait3A_396 = arith.constant 0 : i32
    %dma_wait3A_397 = arith.constant 0 : i32
    %dma_wait3A_398 = tpu.memref_slice %arg8[%dma_wait3A_381, %dma_wait3A_396, %dma_wait3A_397] : memref<6x128x128xf32, #tpu.memory_space<vmem>> -> memref<1x128x128xf32, #tpu.memory_space<vmem>>
    %dma_wait3A_399 = tpu.memref_squeeze %dma_wait3A_398 : memref<1x128x128xf32, #tpu.memory_space<vmem>> -> memref<128x128xf32, #tpu.memory_space<vmem>>
    tpu.wait_dma2 semaphore(%dma_wait3A_392 : memref<!tpu.dma_semaphore, #tpu.memory_space<semaphore_mem>>) src(%dma_wait3A_399 : memref<128x128xf32, #tpu.memory_space<vmem>>) dst(%dma_wait3A_395 : memref<128x128xf32, #tpu.memory_space<hbm>>)
    %dma_wait3A_400 = arith.constant 3 : i32
    %dma_wait3A_401 = arith.constant 1 : i32
    %dma_wait3A_402 = arith.constant 3 : i32
    %dma_wait3A_403 = arith.constant 0 : i32
    %dma_wait3A_404 = arith.constant 0 : i32
    %dma_wait3A_405 = tpu.memref_slice %arg8[%dma_wait3A_400, %dma_wait3A_403, %dma_wait3A_404] : memref<6x128x128xf32, #tpu.memory_space<vmem>> -> memref<1x128x128xf32, #tpu.memory_space<vmem>>
    %dma_wait3A_406 = tpu.memref_squeeze %dma_wait3A_405 : memref<1x128x128xf32, #tpu.memory_space<vmem>> -> memref<128x128xf32, #tpu.memory_space<vmem>>
    %dma_wait3A_407 = arith.constant 0 : i32
    %dma_wait3A_408 = tpu.memref_slice %arg6[%dma_wait3A_401, %mul3A_241, %dma_wait3A_407] : memref<3x8192x128xf32, #tpu.memory_space<hbm>> -> memref<1x128x128xf32, #tpu.memory_space<hbm>>
    %dma_wait3A_409 = tpu.memref_squeeze %dma_wait3A_408 : memref<1x128x128xf32, #tpu.memory_space<hbm>> -> memref<128x128xf32, #tpu.memory_space<hbm>>
    %dma_wait3A_410 = tpu.memref_slice %arg10[%dma_wait3A_402] : memref<6x!tpu.dma_semaphore, #tpu.memory_space<semaphore_mem>> -> memref<1x!tpu.dma_semaphore, #tpu.memory_space<semaphore_mem>>
    %dma_wait3A_411 = tpu.memref_squeeze %dma_wait3A_410 : memref<1x!tpu.dma_semaphore, #tpu.memory_space<semaphore_mem>> -> memref<!tpu.dma_semaphore, #tpu.memory_space<semaphore_mem>>
    %dma_wait3A_412 = arith.constant 0 : i32
    %dma_wait3A_413 = tpu.memref_slice %arg6[%dma_wait3A_401, %mul3A_241, %dma_wait3A_412] : memref<3x8192x128xf32, #tpu.memory_space<hbm>> -> memref<1x128x128xf32, #tpu.memory_space<hbm>>
    %dma_wait3A_414 = tpu.memref_squeeze %dma_wait3A_413 : memref<1x128x128xf32, #tpu.memory_space<hbm>> -> memref<128x128xf32, #tpu.memory_space<hbm>>
    %dma_wait3A_415 = arith.constant 0 : i32
    %dma_wait3A_416 = arith.constant 0 : i32
    %dma_wait3A_417 = tpu.memref_slice %arg8[%dma_wait3A_400, %dma_wait3A_415, %dma_wait3A_416] : memref<6x128x128xf32, #tpu.memory_space<vmem>> -> memref<1x128x128xf32, #tpu.memory_space<vmem>>
    %dma_wait3A_418 = tpu.memref_squeeze %dma_wait3A_417 : memref<1x128x128xf32, #tpu.memory_space<vmem>> -> memref<128x128xf32, #tpu.memory_space<vmem>>
    tpu.wait_dma2 semaphore(%dma_wait3A_411 : memref<!tpu.dma_semaphore, #tpu.memory_space<semaphore_mem>>) src(%dma_wait3A_418 : memref<128x128xf32, #tpu.memory_space<vmem>>) dst(%dma_wait3A_414 : memref<128x128xf32, #tpu.memory_space<hbm>>)
    %dma_wait3A_419 = arith.constant 4 : i32
    %dma_wait3A_420 = arith.constant 2 : i32
    %dma_wait3A_421 = arith.constant 4 : i32
    %dma_wait3A_422 = arith.constant 0 : i32
    %dma_wait3A_423 = arith.constant 0 : i32
    %dma_wait3A_424 = tpu.memref_slice %arg8[%dma_wait3A_419, %dma_wait3A_422, %dma_wait3A_423] : memref<6x128x128xf32, #tpu.memory_space<vmem>> -> memref<1x128x128xf32, #tpu.memory_space<vmem>>
    %dma_wait3A_425 = tpu.memref_squeeze %dma_wait3A_424 : memref<1x128x128xf32, #tpu.memory_space<vmem>> -> memref<128x128xf32, #tpu.memory_space<vmem>>
    %dma_wait3A_426 = arith.constant 0 : i32
    %dma_wait3A_427 = tpu.memref_slice %arg6[%dma_wait3A_420, %mul3A_282, %dma_wait3A_426] : memref<3x8192x128xf32, #tpu.memory_space<hbm>> -> memref<1x128x128xf32, #tpu.memory_space<hbm>>
    %dma_wait3A_428 = tpu.memref_squeeze %dma_wait3A_427 : memref<1x128x128xf32, #tpu.memory_space<hbm>> -> memref<128x128xf32, #tpu.memory_space<hbm>>
    %dma_wait3A_429 = tpu.memref_slice %arg10[%dma_wait3A_421] : memref<6x!tpu.dma_semaphore, #tpu.memory_space<semaphore_mem>> -> memref<1x!tpu.dma_semaphore, #tpu.memory_space<semaphore_mem>>
    %dma_wait3A_430 = tpu.memref_squeeze %dma_wait3A_429 : memref<1x!tpu.dma_semaphore, #tpu.memory_space<semaphore_mem>> -> memref<!tpu.dma_semaphore, #tpu.memory_space<semaphore_mem>>
    %dma_wait3A_431 = arith.constant 0 : i32
    %dma_wait3A_432 = tpu.memref_slice %arg6[%dma_wait3A_420, %mul3A_282, %dma_wait3A_431] : memref<3x8192x128xf32, #tpu.memory_space<hbm>> -> memref<1x128x128xf32, #tpu.memory_space<hbm>>
    %dma_wait3A_433 = tpu.memref_squeeze %dma_wait3A_432 : memref<1x128x128xf32, #tpu.memory_space<hbm>> -> memref<128x128xf32, #tpu.memory_space<hbm>>
    %dma_wait3A_434 = arith.constant 0 : i32
    %dma_wait3A_435 = arith.constant 0 : i32
    %dma_wait3A_436 = tpu.memref_slice %arg8[%dma_wait3A_419, %dma_wait3A_434, %dma_wait3A_435] : memref<6x128x128xf32, #tpu.memory_space<vmem>> -> memref<1x128x128xf32, #tpu.memory_space<vmem>>
    %dma_wait3A_437 = tpu.memref_squeeze %dma_wait3A_436 : memref<1x128x128xf32, #tpu.memory_space<vmem>> -> memref<128x128xf32, #tpu.memory_space<vmem>>
    tpu.wait_dma2 semaphore(%dma_wait3A_430 : memref<!tpu.dma_semaphore, #tpu.memory_space<semaphore_mem>>) src(%dma_wait3A_437 : memref<128x128xf32, #tpu.memory_space<vmem>>) dst(%dma_wait3A_433 : memref<128x128xf32, #tpu.memory_space<hbm>>)
    %dma_wait3A_438 = arith.constant 5 : i32
    %dma_wait3A_439 = arith.constant 2 : i32
    %dma_wait3A_440 = arith.constant 5 : i32
    %dma_wait3A_441 = arith.constant 0 : i32
    %dma_wait3A_442 = arith.constant 0 : i32
    %dma_wait3A_443 = tpu.memref_slice %arg8[%dma_wait3A_438, %dma_wait3A_441, %dma_wait3A_442] : memref<6x128x128xf32, #tpu.memory_space<vmem>> -> memref<1x128x128xf32, #tpu.memory_space<vmem>>
    %dma_wait3A_444 = tpu.memref_squeeze %dma_wait3A_443 : memref<1x128x128xf32, #tpu.memory_space<vmem>> -> memref<128x128xf32, #tpu.memory_space<vmem>>
    %dma_wait3A_445 = arith.constant 0 : i32
    %dma_wait3A_446 = tpu.memref_slice %arg6[%dma_wait3A_439, %mul3A_323, %dma_wait3A_445] : memref<3x8192x128xf32, #tpu.memory_space<hbm>> -> memref<1x128x128xf32, #tpu.memory_space<hbm>>
    %dma_wait3A_447 = tpu.memref_squeeze %dma_wait3A_446 : memref<1x128x128xf32, #tpu.memory_space<hbm>> -> memref<128x128xf32, #tpu.memory_space<hbm>>
    %dma_wait3A_448 = tpu.memref_slice %arg10[%dma_wait3A_440] : memref<6x!tpu.dma_semaphore, #tpu.memory_space<semaphore_mem>> -> memref<1x!tpu.dma_semaphore, #tpu.memory_space<semaphore_mem>>
    %dma_wait3A_449 = tpu.memref_squeeze %dma_wait3A_448 : memref<1x!tpu.dma_semaphore, #tpu.memory_space<semaphore_mem>> -> memref<!tpu.dma_semaphore, #tpu.memory_space<semaphore_mem>>
    %dma_wait3A_450 = arith.constant 0 : i32
    %dma_wait3A_451 = tpu.memref_slice %arg6[%dma_wait3A_439, %mul3A_323, %dma_wait3A_450] : memref<3x8192x128xf32, #tpu.memory_space<hbm>> -> memref<1x128x128xf32, #tpu.memory_space<hbm>>
    %dma_wait3A_452 = tpu.memref_squeeze %dma_wait3A_451 : memref<1x128x128xf32, #tpu.memory_space<hbm>> -> memref<128x128xf32, #tpu.memory_space<hbm>>
    %dma_wait3A_453 = arith.constant 0 : i32
    %dma_wait3A_454 = arith.constant 0 : i32
    %dma_wait3A_455 = tpu.memref_slice %arg8[%dma_wait3A_438, %dma_wait3A_453, %dma_wait3A_454] : memref<6x128x128xf32, #tpu.memory_space<vmem>> -> memref<1x128x128xf32, #tpu.memory_space<vmem>>
    %dma_wait3A_456 = tpu.memref_squeeze %dma_wait3A_455 : memref<1x128x128xf32, #tpu.memory_space<vmem>> -> memref<128x128xf32, #tpu.memory_space<vmem>>
    tpu.wait_dma2 semaphore(%dma_wait3A_449 : memref<!tpu.dma_semaphore, #tpu.memory_space<semaphore_mem>>) src(%dma_wait3A_456 : memref<128x128xf32, #tpu.memory_space<vmem>>) dst(%dma_wait3A_452 : memref<128x128xf32, #tpu.memory_space<hbm>>)
    return
  }
}

#map = affine_map<(d0, d1) -> (0, 0, 0)>
#map1 = affine_map<(d0, d1) -> (0, 0)>
module attributes {stable_mosaic.version = 14 : i64} {
  func.func @k(%arg0: i32, %arg1: i32, %arg2: memref<64x3x128xi32, #tpu.memory_space<hbm>>, %arg3: memref<1000x128xf32, #tpu.memory_space<hbm>>, %arg4: memref<100000x128xf32, #tpu.memory_space<hbm>>, %arg5: memref<1000x128xf32, #tpu.memory_space<hbm>>, %arg6: memref<3x8192x128xf32, #tpu.memory_space<hbm>>, %arg7: memref<2x3x128xi32, #tpu.memory_space<vmem>>, %arg8: memref<6x128x128xf32, #tpu.memory_space<vmem>>, %arg9: memref<6x!tpu.dma_semaphore, #tpu.memory_space<semaphore_mem>>, %arg10: memref<6x!tpu.dma_semaphore, #tpu.memory_space<semaphore_mem>>) attributes {dimension_semantics = [#tpu.dimension_semantics<core_parallel>, #tpu.dimension_semantics<subcore_parallel>], iteration_bounds = array<i64: 2, 16>, scalar_prefetch = 0 : i64, scratch_operands = 4 : i64, tpu.core_type = #tpu.core_type<sc_vector_subcore>, window_params = [{transform_indices = #map}, {transform_indices = #map1}, {transform_indices = #map1}, {transform_indices = #map1}, {transform_indices = #map}]} {
    %mul3A = arith.constant 2 : i32
    %mul3A_0 = arith.muli %arg1, %mul3A : i32
    %add3A = arith.addi %mul3A_0, %arg0 : i32
    %mul3A_1 = arith.constant 2 : i32
    %mul3A_2 = arith.muli %add3A, %mul3A_1 : i32
    "tpu.region"() ({
      %run_scoped3A = tpu.sem_alloc : memref<!tpu.dma_semaphore, #tpu.memory_space<semaphore_mem>>
      %dma_start3A_457 = arith.constant 0 : i32
      %dma_start3A_458 = arith.constant 0 : i32
      %dma_start3A_459 = tpu.memref_slice %arg2[%mul3A_2, %dma_start3A_457, %dma_start3A_458] : memref<64x3x128xi32, #tpu.memory_space<hbm>> -> memref<2x3x128xi32, #tpu.memory_space<hbm>>
      %dma_start3A_460 = arith.constant 0 : i32
      %dma_start3A_461 = arith.constant 0 : i32
      %dma_start3A_462 = tpu.memref_slice %arg2[%mul3A_2, %dma_start3A_460, %dma_start3A_461] : memref<64x3x128xi32, #tpu.memory_space<hbm>> -> memref<2x3x128xi32, #tpu.memory_space<hbm>>
      tpu.enqueue_dma source(%dma_start3A_462 : memref<2x3x128xi32, #tpu.memory_space<hbm>>) target(%arg7 : memref<2x3x128xi32, #tpu.memory_space<vmem>>) target_semaphore(%run_scoped3A : memref<!tpu.dma_semaphore, #tpu.memory_space<semaphore_mem>>)
      %dma_wait3A_463 = arith.constant 0 : i32
      %dma_wait3A_464 = arith.constant 0 : i32
      %dma_wait3A_465 = tpu.memref_slice %arg2[%mul3A_2, %dma_wait3A_463, %dma_wait3A_464] : memref<64x3x128xi32, #tpu.memory_space<hbm>> -> memref<2x3x128xi32, #tpu.memory_space<hbm>>
      %dma_wait3A_466 = arith.constant 0 : i32
      %dma_wait3A_467 = arith.constant 0 : i32
      %dma_wait3A_468 = tpu.memref_slice %arg2[%mul3A_2, %dma_wait3A_466, %dma_wait3A_467] : memref<64x3x128xi32, #tpu.memory_space<hbm>> -> memref<2x3x128xi32, #tpu.memory_space<hbm>>
      tpu.wait_dma2 semaphore(%run_scoped3A : memref<!tpu.dma_semaphore, #tpu.memory_space<semaphore_mem>>) src(%dma_wait3A_468 : memref<2x3x128xi32, #tpu.memory_space<hbm>>) dst(%arg7 : memref<2x3x128xi32, #tpu.memory_space<vmem>>)
      tpu.yield
    }) : () -> ()
    %dma_start3A = arith.constant 0 : i32
    %dma_start3A_3 = arith.constant 0 : i32
    %dma_start3A_4 = arith.constant 0 : i32
    %dma_start3A_5 = arith.constant 0 : i32
    %dma_start3A_6 = arith.constant 0 : i32
    %dma_start3A_7 = arith.constant 0 : i32
    %dma_start3A_8 = tpu.memref_slice %arg8[%dma_start3A_4, %dma_start3A_6, %dma_start3A_7] : memref<6x128x128xf32, #tpu.memory_space<vmem>> -> memref<1x128x128xf32, #tpu.memory_space<vmem>>
    %dma_start3A_9 = tpu.memref_squeeze %dma_start3A_8 : memref<1x128x128xf32, #tpu.memory_space<vmem>> -> memref<128x128xf32, #tpu.memory_space<vmem>>
    %dma_start3A_10 = arith.constant 0 : i32
    %dma_start3A_11 = tpu.memref_slice %arg7[%dma_start3A, %dma_start3A_3, %dma_start3A_10] : memref<2x3x128xi32, #tpu.memory_space<vmem>> -> memref<1x1x128xi32, #tpu.memory_space<vmem>>
    %dma_start3A_12 = tpu.memref_squeeze %dma_start3A_11 : memref<1x1x128xi32, #tpu.memory_space<vmem>> -> memref<128xi32, #tpu.memory_space<vmem>>
    %dma_start3A_13 = arith.constant 0 : i32
    %dma_start3A_14 = arith.constant 0 : i32
    %dma_start3A_15 = tpu.memref_slice %arg3[%dma_start3A_13, %dma_start3A_14] : memref<1000x128xf32, #tpu.memory_space<hbm>> -> memref<1000x128xf32, #tpu.memory_space<hbm>>
    %dma_start3A_16 = tpu.memref_slice %arg9[%dma_start3A_5] : memref<6x!tpu.dma_semaphore, #tpu.memory_space<semaphore_mem>> -> memref<1x!tpu.dma_semaphore, #tpu.memory_space<semaphore_mem>>
    %dma_start3A_17 = tpu.memref_squeeze %dma_start3A_16 : memref<1x!tpu.dma_semaphore, #tpu.memory_space<semaphore_mem>> -> memref<!tpu.dma_semaphore, #tpu.memory_space<semaphore_mem>>
    tpu.enqueue_indirect_dma source(%dma_start3A_15 : memref<1000x128xf32, #tpu.memory_space<hbm>>) target(%dma_start3A_9 : memref<128x128xf32, #tpu.memory_space<vmem>>) offsets(%dma_start3A_12 : memref<128xi32, #tpu.memory_space<vmem>>) semaphore(%dma_start3A_17 : memref<!tpu.dma_semaphore, #tpu.memory_space<semaphore_mem>>)
    %dma_start3A_18 = arith.constant 1 : i32
    %dma_start3A_19 = arith.constant 0 : i32
    %dma_start3A_20 = arith.constant 1 : i32
    %dma_start3A_21 = arith.constant 1 : i32
    %dma_start3A_22 = arith.constant 0 : i32
    %dma_start3A_23 = arith.constant 0 : i32
    %dma_start3A_24 = tpu.memref_slice %arg8[%dma_start3A_20, %dma_start3A_22, %dma_start3A_23] : memref<6x128x128xf32, #tpu.memory_space<vmem>> -> memref<1x128x128xf32, #tpu.memory_space<vmem>>
    %dma_start3A_25 = tpu.memref_squeeze %dma_start3A_24 : memref<1x128x128xf32, #tpu.memory_space<vmem>> -> memref<128x128xf32, #tpu.memory_space<vmem>>
    %dma_start3A_26 = arith.constant 0 : i32
    %dma_start3A_27 = tpu.memref_slice %arg7[%dma_start3A_18, %dma_start3A_19, %dma_start3A_26] : memref<2x3x128xi32, #tpu.memory_space<vmem>> -> memref<1x1x128xi32, #tpu.memory_space<vmem>>
    %dma_start3A_28 = tpu.memref_squeeze %dma_start3A_27 : memref<1x1x128xi32, #tpu.memory_space<vmem>> -> memref<128xi32, #tpu.memory_space<vmem>>
    %dma_start3A_29 = arith.constant 0 : i32
    %dma_start3A_30 = arith.constant 0 : i32
    %dma_start3A_31 = tpu.memref_slice %arg3[%dma_start3A_29, %dma_start3A_30] : memref<1000x128xf32, #tpu.memory_space<hbm>> -> memref<1000x128xf32, #tpu.memory_space<hbm>>
    %dma_start3A_32 = tpu.memref_slice %arg9[%dma_start3A_21] : memref<6x!tpu.dma_semaphore, #tpu.memory_space<semaphore_mem>> -> memref<1x!tpu.dma_semaphore, #tpu.memory_space<semaphore_mem>>
    %dma_start3A_33 = tpu.memref_squeeze %dma_start3A_32 : memref<1x!tpu.dma_semaphore, #tpu.memory_space<semaphore_mem>> -> memref<!tpu.dma_semaphore, #tpu.memory_space<semaphore_mem>>
    tpu.enqueue_indirect_dma source(%dma_start3A_31 : memref<1000x128xf32, #tpu.memory_space<hbm>>) target(%dma_start3A_25 : memref<128x128xf32, #tpu.memory_space<vmem>>) offsets(%dma_start3A_28 : memref<128xi32, #tpu.memory_space<vmem>>) semaphore(%dma_start3A_33 : memref<!tpu.dma_semaphore, #tpu.memory_space<semaphore_mem>>)
    %dma_start3A_34 = arith.constant 0 : i32
    %dma_start3A_35 = arith.constant 1 : i32
    %dma_start3A_36 = arith.constant 2 : i32
    %dma_start3A_37 = arith.constant 2 : i32
    %dma_start3A_38 = arith.constant 0 : i32
    %dma_start3A_39 = arith.constant 0 : i32
    %dma_start3A_40 = tpu.memref_slice %arg8[%dma_start3A_36, %dma_start3A_38, %dma_start3A_39] : memref<6x128x128xf32, #tpu.memory_space<vmem>> -> memref<1x128x128xf32, #tpu.memory_space<vmem>>
    %dma_start3A_41 = tpu.memref_squeeze %dma_start3A_40 : memref<1x128x128xf32, #tpu.memory_space<vmem>> -> memref<128x128xf32, #tpu.memory_space<vmem>>
    %dma_start3A_42 = arith.constant 0 : i32
    %dma_start3A_43 = tpu.memref_slice %arg7[%dma_start3A_34, %dma_start3A_35, %dma_start3A_42] : memref<2x3x128xi32, #tpu.memory_space<vmem>> -> memref<1x1x128xi32, #tpu.memory_space<vmem>>
    %dma_start3A_44 = tpu.memref_squeeze %dma_start3A_43 : memref<1x1x128xi32, #tpu.memory_space<vmem>> -> memref<128xi32, #tpu.memory_space<vmem>>
    %dma_start3A_45 = arith.constant 0 : i32
    %dma_start3A_46 = arith.constant 0 : i32
    %dma_start3A_47 = tpu.memref_slice %arg4[%dma_start3A_45, %dma_start3A_46] : memref<100000x128xf32, #tpu.memory_space<hbm>> -> memref<100000x128xf32, #tpu.memory_space<hbm>>
    %dma_start3A_48 = tpu.memref_slice %arg9[%dma_start3A_37] : memref<6x!tpu.dma_semaphore, #tpu.memory_space<semaphore_mem>> -> memref<1x!tpu.dma_semaphore, #tpu.memory_space<semaphore_mem>>
    %dma_start3A_49 = tpu.memref_squeeze %dma_start3A_48 : memref<1x!tpu.dma_semaphore, #tpu.memory_space<semaphore_mem>> -> memref<!tpu.dma_semaphore, #tpu.memory_space<semaphore_mem>>
    tpu.enqueue_indirect_dma source(%dma_start3A_47 : memref<100000x128xf32, #tpu.memory_space<hbm>>) target(%dma_start3A_41 : memref<128x128xf32, #tpu.memory_space<vmem>>) offsets(%dma_start3A_44 : memref<128xi32, #tpu.memory_space<vmem>>) semaphore(%dma_start3A_49 : memref<!tpu.dma_semaphore, #tpu.memory_space<semaphore_mem>>)
    %dma_start3A_50 = arith.constant 1 : i32
    %dma_start3A_51 = arith.constant 1 : i32
    %dma_start3A_52 = arith.constant 3 : i32
    %dma_start3A_53 = arith.constant 3 : i32
    %dma_start3A_54 = arith.constant 0 : i32
    %dma_start3A_55 = arith.constant 0 : i32
    %dma_start3A_56 = tpu.memref_slice %arg8[%dma_start3A_52, %dma_start3A_54, %dma_start3A_55] : memref<6x128x128xf32, #tpu.memory_space<vmem>> -> memref<1x128x128xf32, #tpu.memory_space<vmem>>
    %dma_start3A_57 = tpu.memref_squeeze %dma_start3A_56 : memref<1x128x128xf32, #tpu.memory_space<vmem>> -> memref<128x128xf32, #tpu.memory_space<vmem>>
    %dma_start3A_58 = arith.constant 0 : i32
    %dma_start3A_59 = tpu.memref_slice %arg7[%dma_start3A_50, %dma_start3A_51, %dma_start3A_58] : memref<2x3x128xi32, #tpu.memory_space<vmem>> -> memref<1x1x128xi32, #tpu.memory_space<vmem>>
    %dma_start3A_60 = tpu.memref_squeeze %dma_start3A_59 : memref<1x1x128xi32, #tpu.memory_space<vmem>> -> memref<128xi32, #tpu.memory_space<vmem>>
    %dma_start3A_61 = arith.constant 0 : i32
    %dma_start3A_62 = arith.constant 0 : i32
    %dma_start3A_63 = tpu.memref_slice %arg4[%dma_start3A_61, %dma_start3A_62] : memref<100000x128xf32, #tpu.memory_space<hbm>> -> memref<100000x128xf32, #tpu.memory_space<hbm>>
    %dma_start3A_64 = tpu.memref_slice %arg9[%dma_start3A_53] : memref<6x!tpu.dma_semaphore, #tpu.memory_space<semaphore_mem>> -> memref<1x!tpu.dma_semaphore, #tpu.memory_space<semaphore_mem>>
    %dma_start3A_65 = tpu.memref_squeeze %dma_start3A_64 : memref<1x!tpu.dma_semaphore, #tpu.memory_space<semaphore_mem>> -> memref<!tpu.dma_semaphore, #tpu.memory_space<semaphore_mem>>
    tpu.enqueue_indirect_dma source(%dma_start3A_63 : memref<100000x128xf32, #tpu.memory_space<hbm>>) target(%dma_start3A_57 : memref<128x128xf32, #tpu.memory_space<vmem>>) offsets(%dma_start3A_60 : memref<128xi32, #tpu.memory_space<vmem>>) semaphore(%dma_start3A_65 : memref<!tpu.dma_semaphore, #tpu.memory_space<semaphore_mem>>)
    %dma_start3A_66 = arith.constant 0 : i32
    %dma_start3A_67 = arith.constant 2 : i32
    %dma_start3A_68 = arith.constant 4 : i32
    %dma_start3A_69 = arith.constant 4 : i32
    %dma_start3A_70 = arith.constant 0 : i32
    %dma_start3A_71 = arith.constant 0 : i32
    %dma_start3A_72 = tpu.memref_slice %arg8[%dma_start3A_68, %dma_start3A_70, %dma_start3A_71] : memref<6x128x128xf32, #tpu.memory_space<vmem>> -> memref<1x128x128xf32, #tpu.memory_space<vmem>>
    %dma_start3A_73 = tpu.memref_squeeze %dma_start3A_72 : memref<1x128x128xf32, #tpu.memory_space<vmem>> -> memref<128x128xf32, #tpu.memory_space<vmem>>
    %dma_start3A_74 = arith.constant 0 : i32
    %dma_start3A_75 = tpu.memref_slice %arg7[%dma_start3A_66, %dma_start3A_67, %dma_start3A_74] : memref<2x3x128xi32, #tpu.memory_space<vmem>> -> memref<1x1x128xi32, #tpu.memory_space<vmem>>
    %dma_start3A_76 = tpu.memref_squeeze %dma_start3A_75 : memref<1x1x128xi32, #tpu.memory_space<vmem>> -> memref<128xi32, #tpu.memory_space<vmem>>
    %dma_start3A_77 = arith.constant 0 : i32
    %dma_start3A_78 = arith.constant 0 : i32
    %dma_start3A_79 = tpu.memref_slice %arg5[%dma_start3A_77, %dma_start3A_78] : memref<1000x128xf32, #tpu.memory_space<hbm>> -> memref<1000x128xf32, #tpu.memory_space<hbm>>
    %dma_start3A_80 = tpu.memref_slice %arg9[%dma_start3A_69] : memref<6x!tpu.dma_semaphore, #tpu.memory_space<semaphore_mem>> -> memref<1x!tpu.dma_semaphore, #tpu.memory_space<semaphore_mem>>
    %dma_start3A_81 = tpu.memref_squeeze %dma_start3A_80 : memref<1x!tpu.dma_semaphore, #tpu.memory_space<semaphore_mem>> -> memref<!tpu.dma_semaphore, #tpu.memory_space<semaphore_mem>>
    tpu.enqueue_indirect_dma source(%dma_start3A_79 : memref<1000x128xf32, #tpu.memory_space<hbm>>) target(%dma_start3A_73 : memref<128x128xf32, #tpu.memory_space<vmem>>) offsets(%dma_start3A_76 : memref<128xi32, #tpu.memory_space<vmem>>) semaphore(%dma_start3A_81 : memref<!tpu.dma_semaphore, #tpu.memory_space<semaphore_mem>>)
    %dma_start3A_82 = arith.constant 1 : i32
    %dma_start3A_83 = arith.constant 2 : i32
    %dma_start3A_84 = arith.constant 5 : i32
    %dma_start3A_85 = arith.constant 5 : i32
    %dma_start3A_86 = arith.constant 0 : i32
    %dma_start3A_87 = arith.constant 0 : i32
    %dma_start3A_88 = tpu.memref_slice %arg8[%dma_start3A_84, %dma_start3A_86, %dma_start3A_87] : memref<6x128x128xf32, #tpu.memory_space<vmem>> -> memref<1x128x128xf32, #tpu.memory_space<vmem>>
    %dma_start3A_89 = tpu.memref_squeeze %dma_start3A_88 : memref<1x128x128xf32, #tpu.memory_space<vmem>> -> memref<128x128xf32, #tpu.memory_space<vmem>>
    %dma_start3A_90 = arith.constant 0 : i32
    %dma_start3A_91 = tpu.memref_slice %arg7[%dma_start3A_82, %dma_start3A_83, %dma_start3A_90] : memref<2x3x128xi32, #tpu.memory_space<vmem>> -> memref<1x1x128xi32, #tpu.memory_space<vmem>>
    %dma_start3A_92 = tpu.memref_squeeze %dma_start3A_91 : memref<1x1x128xi32, #tpu.memory_space<vmem>> -> memref<128xi32, #tpu.memory_space<vmem>>
    %dma_start3A_93 = arith.constant 0 : i32
    %dma_start3A_94 = arith.constant 0 : i32
    %dma_start3A_95 = tpu.memref_slice %arg5[%dma_start3A_93, %dma_start3A_94] : memref<1000x128xf32, #tpu.memory_space<hbm>> -> memref<1000x128xf32, #tpu.memory_space<hbm>>
    %dma_start3A_96 = tpu.memref_slice %arg9[%dma_start3A_85] : memref<6x!tpu.dma_semaphore, #tpu.memory_space<semaphore_mem>> -> memref<1x!tpu.dma_semaphore, #tpu.memory_space<semaphore_mem>>
    %dma_start3A_97 = tpu.memref_squeeze %dma_start3A_96 : memref<1x!tpu.dma_semaphore, #tpu.memory_space<semaphore_mem>> -> memref<!tpu.dma_semaphore, #tpu.memory_space<semaphore_mem>>
    tpu.enqueue_indirect_dma source(%dma_start3A_95 : memref<1000x128xf32, #tpu.memory_space<hbm>>) target(%dma_start3A_89 : memref<128x128xf32, #tpu.memory_space<vmem>>) offsets(%dma_start3A_92 : memref<128xi32, #tpu.memory_space<vmem>>) semaphore(%dma_start3A_97 : memref<!tpu.dma_semaphore, #tpu.memory_space<semaphore_mem>>)
    %dma_wait3A = arith.constant 0 : i32
    %dma_wait3A_98 = arith.constant 0 : i32
    %dma_wait3A_99 = arith.constant 0 : i32
    %dma_wait3A_100 = arith.constant 0 : i32
    %dma_wait3A_101 = arith.constant 0 : i32
    %dma_wait3A_102 = arith.constant 0 : i32
    %dma_wait3A_103 = tpu.memref_slice %arg8[%dma_wait3A_99, %dma_wait3A_101, %dma_wait3A_102] : memref<6x128x128xf32, #tpu.memory_space<vmem>> -> memref<1x128x128xf32, #tpu.memory_space<vmem>>
    %dma_wait3A_104 = tpu.memref_squeeze %dma_wait3A_103 : memref<1x128x128xf32, #tpu.memory_space<vmem>> -> memref<128x128xf32, #tpu.memory_space<vmem>>
    %dma_wait3A_105 = arith.constant 0 : i32
    %dma_wait3A_106 = tpu.memref_slice %arg7[%dma_wait3A, %dma_wait3A_98, %dma_wait3A_105] : memref<2x3x128xi32, #tpu.memory_space<vmem>> -> memref<1x1x128xi32, #tpu.memory_space<vmem>>
    %dma_wait3A_107 = tpu.memref_squeeze %dma_wait3A_106 : memref<1x1x128xi32, #tpu.memory_space<vmem>> -> memref<128xi32, #tpu.memory_space<vmem>>
    %dma_wait3A_108 = arith.constant 0 : i32
    %dma_wait3A_109 = arith.constant 0 : i32
    %dma_wait3A_110 = tpu.memref_slice %arg3[%dma_wait3A_108, %dma_wait3A_109] : memref<1000x128xf32, #tpu.memory_space<hbm>> -> memref<1000x128xf32, #tpu.memory_space<hbm>>
    %dma_wait3A_111 = tpu.memref_slice %arg9[%dma_wait3A_100] : memref<6x!tpu.dma_semaphore, #tpu.memory_space<semaphore_mem>> -> memref<1x!tpu.dma_semaphore, #tpu.memory_space<semaphore_mem>>
    %dma_wait3A_112 = tpu.memref_squeeze %dma_wait3A_111 : memref<1x!tpu.dma_semaphore, #tpu.memory_space<semaphore_mem>> -> memref<!tpu.dma_semaphore, #tpu.memory_space<semaphore_mem>>
    tpu.wait_indirect_dma semaphore(%dma_wait3A_112 : memref<!tpu.dma_semaphore, #tpu.memory_space<semaphore_mem>>) src(%dma_wait3A_110 : memref<1000x128xf32, #tpu.memory_space<hbm>>) dst(%dma_wait3A_104 : memref<128x128xf32, #tpu.memory_space<vmem>>)
    %mul3A_113 = arith.constant 2 : i32
    %mul3A_114 = arith.muli %add3A, %mul3A_113 : i32
    %add3A_115 = arith.constant 0 : i32
    %add3A_116 = arith.addi %mul3A_114, %add3A_115 : i32
    %mul3A_117 = arith.constant 128 : i32
    %mul3A_118 = arith.muli %add3A_116, %mul3A_117 : i32
    %dma_start3A_119 = arith.constant 0 : i32
    %dma_start3A_120 = arith.constant 0 : i32
    %dma_start3A_121 = arith.constant 0 : i32
    %dma_start3A_122 = arith.constant 0 : i32
    %dma_start3A_123 = arith.constant 0 : i32
    %dma_start3A_124 = tpu.memref_slice %arg8[%dma_start3A_119, %dma_start3A_122, %dma_start3A_123] : memref<6x128x128xf32, #tpu.memory_space<vmem>> -> memref<1x128x128xf32, #tpu.memory_space<vmem>>
    %dma_start3A_125 = tpu.memref_squeeze %dma_start3A_124 : memref<1x128x128xf32, #tpu.memory_space<vmem>> -> memref<128x128xf32, #tpu.memory_space<vmem>>
    %dma_start3A_126 = arith.constant 0 : i32
    %dma_start3A_127 = tpu.memref_slice %arg6[%dma_start3A_120, %mul3A_118, %dma_start3A_126] : memref<3x8192x128xf32, #tpu.memory_space<hbm>> -> memref<1x128x128xf32, #tpu.memory_space<hbm>>
    %dma_start3A_128 = tpu.memref_squeeze %dma_start3A_127 : memref<1x128x128xf32, #tpu.memory_space<hbm>> -> memref<128x128xf32, #tpu.memory_space<hbm>>
    %dma_start3A_129 = tpu.memref_slice %arg10[%dma_start3A_121] : memref<6x!tpu.dma_semaphore, #tpu.memory_space<semaphore_mem>> -> memref<1x!tpu.dma_semaphore, #tpu.memory_space<semaphore_mem>>
    %dma_start3A_130 = tpu.memref_squeeze %dma_start3A_129 : memref<1x!tpu.dma_semaphore, #tpu.memory_space<semaphore_mem>> -> memref<!tpu.dma_semaphore, #tpu.memory_space<semaphore_mem>>
    %dma_start3A_131 = arith.constant 0 : i32
    %dma_start3A_132 = tpu.memref_slice %arg6[%dma_start3A_120, %mul3A_118, %dma_start3A_131] : memref<3x8192x128xf32, #tpu.memory_space<hbm>> -> memref<1x128x128xf32, #tpu.memory_space<hbm>>
    %dma_start3A_133 = tpu.memref_squeeze %dma_start3A_132 : memref<1x128x128xf32, #tpu.memory_space<hbm>> -> memref<128x128xf32, #tpu.memory_space<hbm>>
    %dma_start3A_134 = arith.constant 0 : i32
    %dma_start3A_135 = arith.constant 0 : i32
    %dma_start3A_136 = tpu.memref_slice %arg8[%dma_start3A_119, %dma_start3A_134, %dma_start3A_135] : memref<6x128x128xf32, #tpu.memory_space<vmem>> -> memref<1x128x128xf32, #tpu.memory_space<vmem>>
    %dma_start3A_137 = tpu.memref_squeeze %dma_start3A_136 : memref<1x128x128xf32, #tpu.memory_space<vmem>> -> memref<128x128xf32, #tpu.memory_space<vmem>>
    tpu.enqueue_dma source(%dma_start3A_137 : memref<128x128xf32, #tpu.memory_space<vmem>>) target(%dma_start3A_133 : memref<128x128xf32, #tpu.memory_space<hbm>>) target_semaphore(%dma_start3A_130 : memref<!tpu.dma_semaphore, #tpu.memory_space<semaphore_mem>>)
    %dma_wait3A_138 = arith.constant 1 : i32
    %dma_wait3A_139 = arith.constant 0 : i32
    %dma_wait3A_140 = arith.constant 1 : i32
    %dma_wait3A_141 = arith.constant 1 : i32
    %dma_wait3A_142 = arith.constant 0 : i32
    %dma_wait3A_143 = arith.constant 0 : i32
    %dma_wait3A_144 = tpu.memref_slice %arg8[%dma_wait3A_140, %dma_wait3A_142, %dma_wait3A_143] : memref<6x128x128xf32, #tpu.memory_space<vmem>> -> memref<1x128x128xf32, #tpu.memory_space<vmem>>
    %dma_wait3A_145 = tpu.memref_squeeze %dma_wait3A_144 : memref<1x128x128xf32, #tpu.memory_space<vmem>> -> memref<128x128xf32, #tpu.memory_space<vmem>>
    %dma_wait3A_146 = arith.constant 0 : i32
    %dma_wait3A_147 = tpu.memref_slice %arg7[%dma_wait3A_138, %dma_wait3A_139, %dma_wait3A_146] : memref<2x3x128xi32, #tpu.memory_space<vmem>> -> memref<1x1x128xi32, #tpu.memory_space<vmem>>
    %dma_wait3A_148 = tpu.memref_squeeze %dma_wait3A_147 : memref<1x1x128xi32, #tpu.memory_space<vmem>> -> memref<128xi32, #tpu.memory_space<vmem>>
    %dma_wait3A_149 = arith.constant 0 : i32
    %dma_wait3A_150 = arith.constant 0 : i32
    %dma_wait3A_151 = tpu.memref_slice %arg3[%dma_wait3A_149, %dma_wait3A_150] : memref<1000x128xf32, #tpu.memory_space<hbm>> -> memref<1000x128xf32, #tpu.memory_space<hbm>>
    %dma_wait3A_152 = tpu.memref_slice %arg9[%dma_wait3A_141] : memref<6x!tpu.dma_semaphore, #tpu.memory_space<semaphore_mem>> -> memref<1x!tpu.dma_semaphore, #tpu.memory_space<semaphore_mem>>
    %dma_wait3A_153 = tpu.memref_squeeze %dma_wait3A_152 : memref<1x!tpu.dma_semaphore, #tpu.memory_space<semaphore_mem>> -> memref<!tpu.dma_semaphore, #tpu.memory_space<semaphore_mem>>
    tpu.wait_indirect_dma semaphore(%dma_wait3A_153 : memref<!tpu.dma_semaphore, #tpu.memory_space<semaphore_mem>>) src(%dma_wait3A_151 : memref<1000x128xf32, #tpu.memory_space<hbm>>) dst(%dma_wait3A_145 : memref<128x128xf32, #tpu.memory_space<vmem>>)
    %mul3A_154 = arith.constant 2 : i32
    %mul3A_155 = arith.muli %add3A, %mul3A_154 : i32
    %add3A_156 = arith.constant 1 : i32
    %add3A_157 = arith.addi %mul3A_155, %add3A_156 : i32
    %mul3A_158 = arith.constant 128 : i32
    %mul3A_159 = arith.muli %add3A_157, %mul3A_158 : i32
    %dma_start3A_160 = arith.constant 1 : i32
    %dma_start3A_161 = arith.constant 0 : i32
    %dma_start3A_162 = arith.constant 1 : i32
    %dma_start3A_163 = arith.constant 0 : i32
    %dma_start3A_164 = arith.constant 0 : i32
    %dma_start3A_165 = tpu.memref_slice %arg8[%dma_start3A_160, %dma_start3A_163, %dma_start3A_164] : memref<6x128x128xf32, #tpu.memory_space<vmem>> -> memref<1x128x128xf32, #tpu.memory_space<vmem>>
    %dma_start3A_166 = tpu.memref_squeeze %dma_start3A_165 : memref<1x128x128xf32, #tpu.memory_space<vmem>> -> memref<128x128xf32, #tpu.memory_space<vmem>>
    %dma_start3A_167 = arith.constant 0 : i32
    %dma_start3A_168 = tpu.memref_slice %arg6[%dma_start3A_161, %mul3A_159, %dma_start3A_167] : memref<3x8192x128xf32, #tpu.memory_space<hbm>> -> memref<1x128x128xf32, #tpu.memory_space<hbm>>
    %dma_start3A_169 = tpu.memref_squeeze %dma_start3A_168 : memref<1x128x128xf32, #tpu.memory_space<hbm>> -> memref<128x128xf32, #tpu.memory_space<hbm>>
    %dma_start3A_170 = tpu.memref_slice %arg10[%dma_start3A_162] : memref<6x!tpu.dma_semaphore, #tpu.memory_space<semaphore_mem>> -> memref<1x!tpu.dma_semaphore, #tpu.memory_space<semaphore_mem>>
    %dma_start3A_171 = tpu.memref_squeeze %dma_start3A_170 : memref<1x!tpu.dma_semaphore, #tpu.memory_space<semaphore_mem>> -> memref<!tpu.dma_semaphore, #tpu.memory_space<semaphore_mem>>
    %dma_start3A_172 = arith.constant 0 : i32
    %dma_start3A_173 = tpu.memref_slice %arg6[%dma_start3A_161, %mul3A_159, %dma_start3A_172] : memref<3x8192x128xf32, #tpu.memory_space<hbm>> -> memref<1x128x128xf32, #tpu.memory_space<hbm>>
    %dma_start3A_174 = tpu.memref_squeeze %dma_start3A_173 : memref<1x128x128xf32, #tpu.memory_space<hbm>> -> memref<128x128xf32, #tpu.memory_space<hbm>>
    %dma_start3A_175 = arith.constant 0 : i32
    %dma_start3A_176 = arith.constant 0 : i32
    %dma_start3A_177 = tpu.memref_slice %arg8[%dma_start3A_160, %dma_start3A_175, %dma_start3A_176] : memref<6x128x128xf32, #tpu.memory_space<vmem>> -> memref<1x128x128xf32, #tpu.memory_space<vmem>>
    %dma_start3A_178 = tpu.memref_squeeze %dma_start3A_177 : memref<1x128x128xf32, #tpu.memory_space<vmem>> -> memref<128x128xf32, #tpu.memory_space<vmem>>
    tpu.enqueue_dma source(%dma_start3A_178 : memref<128x128xf32, #tpu.memory_space<vmem>>) target(%dma_start3A_174 : memref<128x128xf32, #tpu.memory_space<hbm>>) target_semaphore(%dma_start3A_171 : memref<!tpu.dma_semaphore, #tpu.memory_space<semaphore_mem>>)
    %dma_wait3A_179 = arith.constant 0 : i32
    %dma_wait3A_180 = arith.constant 1 : i32
    %dma_wait3A_181 = arith.constant 2 : i32
    %dma_wait3A_182 = arith.constant 2 : i32
    %dma_wait3A_183 = arith.constant 0 : i32
    %dma_wait3A_184 = arith.constant 0 : i32
    %dma_wait3A_185 = tpu.memref_slice %arg8[%dma_wait3A_181, %dma_wait3A_183, %dma_wait3A_184] : memref<6x128x128xf32, #tpu.memory_space<vmem>> -> memref<1x128x128xf32, #tpu.memory_space<vmem>>
    %dma_wait3A_186 = tpu.memref_squeeze %dma_wait3A_185 : memref<1x128x128xf32, #tpu.memory_space<vmem>> -> memref<128x128xf32, #tpu.memory_space<vmem>>
    %dma_wait3A_187 = arith.constant 0 : i32
    %dma_wait3A_188 = tpu.memref_slice %arg7[%dma_wait3A_179, %dma_wait3A_180, %dma_wait3A_187] : memref<2x3x128xi32, #tpu.memory_space<vmem>> -> memref<1x1x128xi32, #tpu.memory_space<vmem>>
    %dma_wait3A_189 = tpu.memref_squeeze %dma_wait3A_188 : memref<1x1x128xi32, #tpu.memory_space<vmem>> -> memref<128xi32, #tpu.memory_space<vmem>>
    %dma_wait3A_190 = arith.constant 0 : i32
    %dma_wait3A_191 = arith.constant 0 : i32
    %dma_wait3A_192 = tpu.memref_slice %arg4[%dma_wait3A_190, %dma_wait3A_191] : memref<100000x128xf32, #tpu.memory_space<hbm>> -> memref<100000x128xf32, #tpu.memory_space<hbm>>
    %dma_wait3A_193 = tpu.memref_slice %arg9[%dma_wait3A_182] : memref<6x!tpu.dma_semaphore, #tpu.memory_space<semaphore_mem>> -> memref<1x!tpu.dma_semaphore, #tpu.memory_space<semaphore_mem>>
    %dma_wait3A_194 = tpu.memref_squeeze %dma_wait3A_193 : memref<1x!tpu.dma_semaphore, #tpu.memory_space<semaphore_mem>> -> memref<!tpu.dma_semaphore, #tpu.memory_space<semaphore_mem>>
    tpu.wait_indirect_dma semaphore(%dma_wait3A_194 : memref<!tpu.dma_semaphore, #tpu.memory_space<semaphore_mem>>) src(%dma_wait3A_192 : memref<100000x128xf32, #tpu.memory_space<hbm>>) dst(%dma_wait3A_186 : memref<128x128xf32, #tpu.memory_space<vmem>>)
    %mul3A_195 = arith.constant 2 : i32
    %mul3A_196 = arith.muli %add3A, %mul3A_195 : i32
    %add3A_197 = arith.constant 0 : i32
    %add3A_198 = arith.addi %mul3A_196, %add3A_197 : i32
    %mul3A_199 = arith.constant 128 : i32
    %mul3A_200 = arith.muli %add3A_198, %mul3A_199 : i32
    %dma_start3A_201 = arith.constant 2 : i32
    %dma_start3A_202 = arith.constant 1 : i32
    %dma_start3A_203 = arith.constant 2 : i32
    %dma_start3A_204 = arith.constant 0 : i32
    %dma_start3A_205 = arith.constant 0 : i32
    %dma_start3A_206 = tpu.memref_slice %arg8[%dma_start3A_201, %dma_start3A_204, %dma_start3A_205] : memref<6x128x128xf32, #tpu.memory_space<vmem>> -> memref<1x128x128xf32, #tpu.memory_space<vmem>>
    %dma_start3A_207 = tpu.memref_squeeze %dma_start3A_206 : memref<1x128x128xf32, #tpu.memory_space<vmem>> -> memref<128x128xf32, #tpu.memory_space<vmem>>
    %dma_start3A_208 = arith.constant 0 : i32
    %dma_start3A_209 = tpu.memref_slice %arg6[%dma_start3A_202, %mul3A_200, %dma_start3A_208] : memref<3x8192x128xf32, #tpu.memory_space<hbm>> -> memref<1x128x128xf32, #tpu.memory_space<hbm>>
    %dma_start3A_210 = tpu.memref_squeeze %dma_start3A_209 : memref<1x128x128xf32, #tpu.memory_space<hbm>> -> memref<128x128xf32, #tpu.memory_space<hbm>>
    %dma_start3A_211 = tpu.memref_slice %arg10[%dma_start3A_203] : memref<6x!tpu.dma_semaphore, #tpu.memory_space<semaphore_mem>> -> memref<1x!tpu.dma_semaphore, #tpu.memory_space<semaphore_mem>>
    %dma_start3A_212 = tpu.memref_squeeze %dma_start3A_211 : memref<1x!tpu.dma_semaphore, #tpu.memory_space<semaphore_mem>> -> memref<!tpu.dma_semaphore, #tpu.memory_space<semaphore_mem>>
    %dma_start3A_213 = arith.constant 0 : i32
    %dma_start3A_214 = tpu.memref_slice %arg6[%dma_start3A_202, %mul3A_200, %dma_start3A_213] : memref<3x8192x128xf32, #tpu.memory_space<hbm>> -> memref<1x128x128xf32, #tpu.memory_space<hbm>>
    %dma_start3A_215 = tpu.memref_squeeze %dma_start3A_214 : memref<1x128x128xf32, #tpu.memory_space<hbm>> -> memref<128x128xf32, #tpu.memory_space<hbm>>
    %dma_start3A_216 = arith.constant 0 : i32
    %dma_start3A_217 = arith.constant 0 : i32
    %dma_start3A_218 = tpu.memref_slice %arg8[%dma_start3A_201, %dma_start3A_216, %dma_start3A_217] : memref<6x128x128xf32, #tpu.memory_space<vmem>> -> memref<1x128x128xf32, #tpu.memory_space<vmem>>
    %dma_start3A_219 = tpu.memref_squeeze %dma_start3A_218 : memref<1x128x128xf32, #tpu.memory_space<vmem>> -> memref<128x128xf32, #tpu.memory_space<vmem>>
    tpu.enqueue_dma source(%dma_start3A_219 : memref<128x128xf32, #tpu.memory_space<vmem>>) target(%dma_start3A_215 : memref<128x128xf32, #tpu.memory_space<hbm>>) target_semaphore(%dma_start3A_212 : memref<!tpu.dma_semaphore, #tpu.memory_space<semaphore_mem>>)
    %dma_wait3A_220 = arith.constant 1 : i32
    %dma_wait3A_221 = arith.constant 1 : i32
    %dma_wait3A_222 = arith.constant 3 : i32
    %dma_wait3A_223 = arith.constant 3 : i32
    %dma_wait3A_224 = arith.constant 0 : i32
    %dma_wait3A_225 = arith.constant 0 : i32
    %dma_wait3A_226 = tpu.memref_slice %arg8[%dma_wait3A_222, %dma_wait3A_224, %dma_wait3A_225] : memref<6x128x128xf32, #tpu.memory_space<vmem>> -> memref<1x128x128xf32, #tpu.memory_space<vmem>>
    %dma_wait3A_227 = tpu.memref_squeeze %dma_wait3A_226 : memref<1x128x128xf32, #tpu.memory_space<vmem>> -> memref<128x128xf32, #tpu.memory_space<vmem>>
    %dma_wait3A_228 = arith.constant 0 : i32
    %dma_wait3A_229 = tpu.memref_slice %arg7[%dma_wait3A_220, %dma_wait3A_221, %dma_wait3A_228] : memref<2x3x128xi32, #tpu.memory_space<vmem>> -> memref<1x1x128xi32, #tpu.memory_space<vmem>>
    %dma_wait3A_230 = tpu.memref_squeeze %dma_wait3A_229 : memref<1x1x128xi32, #tpu.memory_space<vmem>> -> memref<128xi32, #tpu.memory_space<vmem>>
    %dma_wait3A_231 = arith.constant 0 : i32
    %dma_wait3A_232 = arith.constant 0 : i32
    %dma_wait3A_233 = tpu.memref_slice %arg4[%dma_wait3A_231, %dma_wait3A_232] : memref<100000x128xf32, #tpu.memory_space<hbm>> -> memref<100000x128xf32, #tpu.memory_space<hbm>>
    %dma_wait3A_234 = tpu.memref_slice %arg9[%dma_wait3A_223] : memref<6x!tpu.dma_semaphore, #tpu.memory_space<semaphore_mem>> -> memref<1x!tpu.dma_semaphore, #tpu.memory_space<semaphore_mem>>
    %dma_wait3A_235 = tpu.memref_squeeze %dma_wait3A_234 : memref<1x!tpu.dma_semaphore, #tpu.memory_space<semaphore_mem>> -> memref<!tpu.dma_semaphore, #tpu.memory_space<semaphore_mem>>
    tpu.wait_indirect_dma semaphore(%dma_wait3A_235 : memref<!tpu.dma_semaphore, #tpu.memory_space<semaphore_mem>>) src(%dma_wait3A_233 : memref<100000x128xf32, #tpu.memory_space<hbm>>) dst(%dma_wait3A_227 : memref<128x128xf32, #tpu.memory_space<vmem>>)
    %mul3A_236 = arith.constant 2 : i32
    %mul3A_237 = arith.muli %add3A, %mul3A_236 : i32
    %add3A_238 = arith.constant 1 : i32
    %add3A_239 = arith.addi %mul3A_237, %add3A_238 : i32
    %mul3A_240 = arith.constant 128 : i32
    %mul3A_241 = arith.muli %add3A_239, %mul3A_240 : i32
    %dma_start3A_242 = arith.constant 3 : i32
    %dma_start3A_243 = arith.constant 1 : i32
    %dma_start3A_244 = arith.constant 3 : i32
    %dma_start3A_245 = arith.constant 0 : i32
    %dma_start3A_246 = arith.constant 0 : i32
    %dma_start3A_247 = tpu.memref_slice %arg8[%dma_start3A_242, %dma_start3A_245, %dma_start3A_246] : memref<6x128x128xf32, #tpu.memory_space<vmem>> -> memref<1x128x128xf32, #tpu.memory_space<vmem>>
    %dma_start3A_248 = tpu.memref_squeeze %dma_start3A_247 : memref<1x128x128xf32, #tpu.memory_space<vmem>> -> memref<128x128xf32, #tpu.memory_space<vmem>>
    %dma_start3A_249 = arith.constant 0 : i32
    %dma_start3A_250 = tpu.memref_slice %arg6[%dma_start3A_243, %mul3A_241, %dma_start3A_249] : memref<3x8192x128xf32, #tpu.memory_space<hbm>> -> memref<1x128x128xf32, #tpu.memory_space<hbm>>
    %dma_start3A_251 = tpu.memref_squeeze %dma_start3A_250 : memref<1x128x128xf32, #tpu.memory_space<hbm>> -> memref<128x128xf32, #tpu.memory_space<hbm>>
    %dma_start3A_252 = tpu.memref_slice %arg10[%dma_start3A_244] : memref<6x!tpu.dma_semaphore, #tpu.memory_space<semaphore_mem>> -> memref<1x!tpu.dma_semaphore, #tpu.memory_space<semaphore_mem>>
    %dma_start3A_253 = tpu.memref_squeeze %dma_start3A_252 : memref<1x!tpu.dma_semaphore, #tpu.memory_space<semaphore_mem>> -> memref<!tpu.dma_semaphore, #tpu.memory_space<semaphore_mem>>
    %dma_start3A_254 = arith.constant 0 : i32
    %dma_start3A_255 = tpu.memref_slice %arg6[%dma_start3A_243, %mul3A_241, %dma_start3A_254] : memref<3x8192x128xf32, #tpu.memory_space<hbm>> -> memref<1x128x128xf32, #tpu.memory_space<hbm>>
    %dma_start3A_256 = tpu.memref_squeeze %dma_start3A_255 : memref<1x128x128xf32, #tpu.memory_space<hbm>> -> memref<128x128xf32, #tpu.memory_space<hbm>>
    %dma_start3A_257 = arith.constant 0 : i32
    %dma_start3A_258 = arith.constant 0 : i32
    %dma_start3A_259 = tpu.memref_slice %arg8[%dma_start3A_242, %dma_start3A_257, %dma_start3A_258] : memref<6x128x128xf32, #tpu.memory_space<vmem>> -> memref<1x128x128xf32, #tpu.memory_space<vmem>>
    %dma_start3A_260 = tpu.memref_squeeze %dma_start3A_259 : memref<1x128x128xf32, #tpu.memory_space<vmem>> -> memref<128x128xf32, #tpu.memory_space<vmem>>
    tpu.enqueue_dma source(%dma_start3A_260 : memref<128x128xf32, #tpu.memory_space<vmem>>) target(%dma_start3A_256 : memref<128x128xf32, #tpu.memory_space<hbm>>) target_semaphore(%dma_start3A_253 : memref<!tpu.dma_semaphore, #tpu.memory_space<semaphore_mem>>)
    %dma_wait3A_261 = arith.constant 0 : i32
    %dma_wait3A_262 = arith.constant 2 : i32
    %dma_wait3A_263 = arith.constant 4 : i32
    %dma_wait3A_264 = arith.constant 4 : i32
    %dma_wait3A_265 = arith.constant 0 : i32
    %dma_wait3A_266 = arith.constant 0 : i32
    %dma_wait3A_267 = tpu.memref_slice %arg8[%dma_wait3A_263, %dma_wait3A_265, %dma_wait3A_266] : memref<6x128x128xf32, #tpu.memory_space<vmem>> -> memref<1x128x128xf32, #tpu.memory_space<vmem>>
    %dma_wait3A_268 = tpu.memref_squeeze %dma_wait3A_267 : memref<1x128x128xf32, #tpu.memory_space<vmem>> -> memref<128x128xf32, #tpu.memory_space<vmem>>
    %dma_wait3A_269 = arith.constant 0 : i32
    %dma_wait3A_270 = tpu.memref_slice %arg7[%dma_wait3A_261, %dma_wait3A_262, %dma_wait3A_269] : memref<2x3x128xi32, #tpu.memory_space<vmem>> -> memref<1x1x128xi32, #tpu.memory_space<vmem>>
    %dma_wait3A_271 = tpu.memref_squeeze %dma_wait3A_270 : memref<1x1x128xi32, #tpu.memory_space<vmem>> -> memref<128xi32, #tpu.memory_space<vmem>>
    %dma_wait3A_272 = arith.constant 0 : i32
    %dma_wait3A_273 = arith.constant 0 : i32
    %dma_wait3A_274 = tpu.memref_slice %arg5[%dma_wait3A_272, %dma_wait3A_273] : memref<1000x128xf32, #tpu.memory_space<hbm>> -> memref<1000x128xf32, #tpu.memory_space<hbm>>
    %dma_wait3A_275 = tpu.memref_slice %arg9[%dma_wait3A_264] : memref<6x!tpu.dma_semaphore, #tpu.memory_space<semaphore_mem>> -> memref<1x!tpu.dma_semaphore, #tpu.memory_space<semaphore_mem>>
    %dma_wait3A_276 = tpu.memref_squeeze %dma_wait3A_275 : memref<1x!tpu.dma_semaphore, #tpu.memory_space<semaphore_mem>> -> memref<!tpu.dma_semaphore, #tpu.memory_space<semaphore_mem>>
    tpu.wait_indirect_dma semaphore(%dma_wait3A_276 : memref<!tpu.dma_semaphore, #tpu.memory_space<semaphore_mem>>) src(%dma_wait3A_274 : memref<1000x128xf32, #tpu.memory_space<hbm>>) dst(%dma_wait3A_268 : memref<128x128xf32, #tpu.memory_space<vmem>>)
    %mul3A_277 = arith.constant 2 : i32
    %mul3A_278 = arith.muli %add3A, %mul3A_277 : i32
    %add3A_279 = arith.constant 0 : i32
    %add3A_280 = arith.addi %mul3A_278, %add3A_279 : i32
    %mul3A_281 = arith.constant 128 : i32
    %mul3A_282 = arith.muli %add3A_280, %mul3A_281 : i32
    %dma_start3A_283 = arith.constant 4 : i32
    %dma_start3A_284 = arith.constant 2 : i32
    %dma_start3A_285 = arith.constant 4 : i32
    %dma_start3A_286 = arith.constant 0 : i32
    %dma_start3A_287 = arith.constant 0 : i32
    %dma_start3A_288 = tpu.memref_slice %arg8[%dma_start3A_283, %dma_start3A_286, %dma_start3A_287] : memref<6x128x128xf32, #tpu.memory_space<vmem>> -> memref<1x128x128xf32, #tpu.memory_space<vmem>>
    %dma_start3A_289 = tpu.memref_squeeze %dma_start3A_288 : memref<1x128x128xf32, #tpu.memory_space<vmem>> -> memref<128x128xf32, #tpu.memory_space<vmem>>
    %dma_start3A_290 = arith.constant 0 : i32
    %dma_start3A_291 = tpu.memref_slice %arg6[%dma_start3A_284, %mul3A_282, %dma_start3A_290] : memref<3x8192x128xf32, #tpu.memory_space<hbm>> -> memref<1x128x128xf32, #tpu.memory_space<hbm>>
    %dma_start3A_292 = tpu.memref_squeeze %dma_start3A_291 : memref<1x128x128xf32, #tpu.memory_space<hbm>> -> memref<128x128xf32, #tpu.memory_space<hbm>>
    %dma_start3A_293 = tpu.memref_slice %arg10[%dma_start3A_285] : memref<6x!tpu.dma_semaphore, #tpu.memory_space<semaphore_mem>> -> memref<1x!tpu.dma_semaphore, #tpu.memory_space<semaphore_mem>>
    %dma_start3A_294 = tpu.memref_squeeze %dma_start3A_293 : memref<1x!tpu.dma_semaphore, #tpu.memory_space<semaphore_mem>> -> memref<!tpu.dma_semaphore, #tpu.memory_space<semaphore_mem>>
    %dma_start3A_295 = arith.constant 0 : i32
    %dma_start3A_296 = tpu.memref_slice %arg6[%dma_start3A_284, %mul3A_282, %dma_start3A_295] : memref<3x8192x128xf32, #tpu.memory_space<hbm>> -> memref<1x128x128xf32, #tpu.memory_space<hbm>>
    %dma_start3A_297 = tpu.memref_squeeze %dma_start3A_296 : memref<1x128x128xf32, #tpu.memory_space<hbm>> -> memref<128x128xf32, #tpu.memory_space<hbm>>
    %dma_start3A_298 = arith.constant 0 : i32
    %dma_start3A_299 = arith.constant 0 : i32
    %dma_start3A_300 = tpu.memref_slice %arg8[%dma_start3A_283, %dma_start3A_298, %dma_start3A_299] : memref<6x128x128xf32, #tpu.memory_space<vmem>> -> memref<1x128x128xf32, #tpu.memory_space<vmem>>
    %dma_start3A_301 = tpu.memref_squeeze %dma_start3A_300 : memref<1x128x128xf32, #tpu.memory_space<vmem>> -> memref<128x128xf32, #tpu.memory_space<vmem>>
    tpu.enqueue_dma source(%dma_start3A_301 : memref<128x128xf32, #tpu.memory_space<vmem>>) target(%dma_start3A_297 : memref<128x128xf32, #tpu.memory_space<hbm>>) target_semaphore(%dma_start3A_294 : memref<!tpu.dma_semaphore, #tpu.memory_space<semaphore_mem>>)
    %dma_wait3A_302 = arith.constant 1 : i32
    %dma_wait3A_303 = arith.constant 2 : i32
    %dma_wait3A_304 = arith.constant 5 : i32
    %dma_wait3A_305 = arith.constant 5 : i32
    %dma_wait3A_306 = arith.constant 0 : i32
    %dma_wait3A_307 = arith.constant 0 : i32
    %dma_wait3A_308 = tpu.memref_slice %arg8[%dma_wait3A_304, %dma_wait3A_306, %dma_wait3A_307] : memref<6x128x128xf32, #tpu.memory_space<vmem>> -> memref<1x128x128xf32, #tpu.memory_space<vmem>>
    %dma_wait3A_309 = tpu.memref_squeeze %dma_wait3A_308 : memref<1x128x128xf32, #tpu.memory_space<vmem>> -> memref<128x128xf32, #tpu.memory_space<vmem>>
    %dma_wait3A_310 = arith.constant 0 : i32
    %dma_wait3A_311 = tpu.memref_slice %arg7[%dma_wait3A_302, %dma_wait3A_303, %dma_wait3A_310] : memref<2x3x128xi32, #tpu.memory_space<vmem>> -> memref<1x1x128xi32, #tpu.memory_space<vmem>>
    %dma_wait3A_312 = tpu.memref_squeeze %dma_wait3A_311 : memref<1x1x128xi32, #tpu.memory_space<vmem>> -> memref<128xi32, #tpu.memory_space<vmem>>
    %dma_wait3A_313 = arith.constant 0 : i32
    %dma_wait3A_314 = arith.constant 0 : i32
    %dma_wait3A_315 = tpu.memref_slice %arg5[%dma_wait3A_313, %dma_wait3A_314] : memref<1000x128xf32, #tpu.memory_space<hbm>> -> memref<1000x128xf32, #tpu.memory_space<hbm>>
    %dma_wait3A_316 = tpu.memref_slice %arg9[%dma_wait3A_305] : memref<6x!tpu.dma_semaphore, #tpu.memory_space<semaphore_mem>> -> memref<1x!tpu.dma_semaphore, #tpu.memory_space<semaphore_mem>>
    %dma_wait3A_317 = tpu.memref_squeeze %dma_wait3A_316 : memref<1x!tpu.dma_semaphore, #tpu.memory_space<semaphore_mem>> -> memref<!tpu.dma_semaphore, #tpu.memory_space<semaphore_mem>>
    tpu.wait_indirect_dma semaphore(%dma_wait3A_317 : memref<!tpu.dma_semaphore, #tpu.memory_space<semaphore_mem>>) src(%dma_wait3A_315 : memref<1000x128xf32, #tpu.memory_space<hbm>>) dst(%dma_wait3A_309 : memref<128x128xf32, #tpu.memory_space<vmem>>)
    %mul3A_318 = arith.constant 2 : i32
    %mul3A_319 = arith.muli %add3A, %mul3A_318 : i32
    %add3A_320 = arith.constant 1 : i32
    %add3A_321 = arith.addi %mul3A_319, %add3A_320 : i32
    %mul3A_322 = arith.constant 128 : i32
    %mul3A_323 = arith.muli %add3A_321, %mul3A_322 : i32
    %dma_start3A_324 = arith.constant 5 : i32
    %dma_start3A_325 = arith.constant 2 : i32
    %dma_start3A_326 = arith.constant 5 : i32
    %dma_start3A_327 = arith.constant 0 : i32
    %dma_start3A_328 = arith.constant 0 : i32
    %dma_start3A_329 = tpu.memref_slice %arg8[%dma_start3A_324, %dma_start3A_327, %dma_start3A_328] : memref<6x128x128xf32, #tpu.memory_space<vmem>> -> memref<1x128x128xf32, #tpu.memory_space<vmem>>
    %dma_start3A_330 = tpu.memref_squeeze %dma_start3A_329 : memref<1x128x128xf32, #tpu.memory_space<vmem>> -> memref<128x128xf32, #tpu.memory_space<vmem>>
    %dma_start3A_331 = arith.constant 0 : i32
    %dma_start3A_332 = tpu.memref_slice %arg6[%dma_start3A_325, %mul3A_323, %dma_start3A_331] : memref<3x8192x128xf32, #tpu.memory_space<hbm>> -> memref<1x128x128xf32, #tpu.memory_space<hbm>>
    %dma_start3A_333 = tpu.memref_squeeze %dma_start3A_332 : memref<1x128x128xf32, #tpu.memory_space<hbm>> -> memref<128x128xf32, #tpu.memory_space<hbm>>
    %dma_start3A_334 = tpu.memref_slice %arg10[%dma_start3A_326] : memref<6x!tpu.dma_semaphore, #tpu.memory_space<semaphore_mem>> -> memref<1x!tpu.dma_semaphore, #tpu.memory_space<semaphore_mem>>
    %dma_start3A_335 = tpu.memref_squeeze %dma_start3A_334 : memref<1x!tpu.dma_semaphore, #tpu.memory_space<semaphore_mem>> -> memref<!tpu.dma_semaphore, #tpu.memory_space<semaphore_mem>>
    %dma_start3A_336 = arith.constant 0 : i32
    %dma_start3A_337 = tpu.memref_slice %arg6[%dma_start3A_325, %mul3A_323, %dma_start3A_336] : memref<3x8192x128xf32, #tpu.memory_space<hbm>> -> memref<1x128x128xf32, #tpu.memory_space<hbm>>
    %dma_start3A_338 = tpu.memref_squeeze %dma_start3A_337 : memref<1x128x128xf32, #tpu.memory_space<hbm>> -> memref<128x128xf32, #tpu.memory_space<hbm>>
    %dma_start3A_339 = arith.constant 0 : i32
    %dma_start3A_340 = arith.constant 0 : i32
    %dma_start3A_341 = tpu.memref_slice %arg8[%dma_start3A_324, %dma_start3A_339, %dma_start3A_340] : memref<6x128x128xf32, #tpu.memory_space<vmem>> -> memref<1x128x128xf32, #tpu.memory_space<vmem>>
    %dma_start3A_342 = tpu.memref_squeeze %dma_start3A_341 : memref<1x128x128xf32, #tpu.memory_space<vmem>> -> memref<128x128xf32, #tpu.memory_space<vmem>>
    tpu.enqueue_dma source(%dma_start3A_342 : memref<128x128xf32, #tpu.memory_space<vmem>>) target(%dma_start3A_338 : memref<128x128xf32, #tpu.memory_space<hbm>>) target_semaphore(%dma_start3A_335 : memref<!tpu.dma_semaphore, #tpu.memory_space<semaphore_mem>>)
    %dma_wait3A_343 = arith.constant 0 : i32
    %dma_wait3A_344 = arith.constant 0 : i32
    %dma_wait3A_345 = arith.constant 0 : i32
    %dma_wait3A_346 = arith.constant 0 : i32
    %dma_wait3A_347 = arith.constant 0 : i32
    %dma_wait3A_348 = tpu.memref_slice %arg8[%dma_wait3A_343, %dma_wait3A_346, %dma_wait3A_347] : memref<6x128x128xf32, #tpu.memory_space<vmem>> -> memref<1x128x128xf32, #tpu.memory_space<vmem>>
    %dma_wait3A_349 = tpu.memref_squeeze %dma_wait3A_348 : memref<1x128x128xf32, #tpu.memory_space<vmem>> -> memref<128x128xf32, #tpu.memory_space<vmem>>
    %dma_wait3A_350 = arith.constant 0 : i32
    %dma_wait3A_351 = tpu.memref_slice %arg6[%dma_wait3A_344, %mul3A_118, %dma_wait3A_350] : memref<3x8192x128xf32, #tpu.memory_space<hbm>> -> memref<1x128x128xf32, #tpu.memory_space<hbm>>
    %dma_wait3A_352 = tpu.memref_squeeze %dma_wait3A_351 : memref<1x128x128xf32, #tpu.memory_space<hbm>> -> memref<128x128xf32, #tpu.memory_space<hbm>>
    %dma_wait3A_353 = tpu.memref_slice %arg10[%dma_wait3A_345] : memref<6x!tpu.dma_semaphore, #tpu.memory_space<semaphore_mem>> -> memref<1x!tpu.dma_semaphore, #tpu.memory_space<semaphore_mem>>
    %dma_wait3A_354 = tpu.memref_squeeze %dma_wait3A_353 : memref<1x!tpu.dma_semaphore, #tpu.memory_space<semaphore_mem>> -> memref<!tpu.dma_semaphore, #tpu.memory_space<semaphore_mem>>
    %dma_wait3A_355 = arith.constant 0 : i32
    %dma_wait3A_356 = tpu.memref_slice %arg6[%dma_wait3A_344, %mul3A_118, %dma_wait3A_355] : memref<3x8192x128xf32, #tpu.memory_space<hbm>> -> memref<1x128x128xf32, #tpu.memory_space<hbm>>
    %dma_wait3A_357 = tpu.memref_squeeze %dma_wait3A_356 : memref<1x128x128xf32, #tpu.memory_space<hbm>> -> memref<128x128xf32, #tpu.memory_space<hbm>>
    %dma_wait3A_358 = arith.constant 0 : i32
    %dma_wait3A_359 = arith.constant 0 : i32
    %dma_wait3A_360 = tpu.memref_slice %arg8[%dma_wait3A_343, %dma_wait3A_358, %dma_wait3A_359] : memref<6x128x128xf32, #tpu.memory_space<vmem>> -> memref<1x128x128xf32, #tpu.memory_space<vmem>>
    %dma_wait3A_361 = tpu.memref_squeeze %dma_wait3A_360 : memref<1x128x128xf32, #tpu.memory_space<vmem>> -> memref<128x128xf32, #tpu.memory_space<vmem>>
    tpu.wait_dma2 semaphore(%dma_wait3A_354 : memref<!tpu.dma_semaphore, #tpu.memory_space<semaphore_mem>>) src(%dma_wait3A_361 : memref<128x128xf32, #tpu.memory_space<vmem>>) dst(%dma_wait3A_357 : memref<128x128xf32, #tpu.memory_space<hbm>>)
    %dma_wait3A_362 = arith.constant 1 : i32
    %dma_wait3A_363 = arith.constant 0 : i32
    %dma_wait3A_364 = arith.constant 1 : i32
    %dma_wait3A_365 = arith.constant 0 : i32
    %dma_wait3A_366 = arith.constant 0 : i32
    %dma_wait3A_367 = tpu.memref_slice %arg8[%dma_wait3A_362, %dma_wait3A_365, %dma_wait3A_366] : memref<6x128x128xf32, #tpu.memory_space<vmem>> -> memref<1x128x128xf32, #tpu.memory_space<vmem>>
    %dma_wait3A_368 = tpu.memref_squeeze %dma_wait3A_367 : memref<1x128x128xf32, #tpu.memory_space<vmem>> -> memref<128x128xf32, #tpu.memory_space<vmem>>
    %dma_wait3A_369 = arith.constant 0 : i32
    %dma_wait3A_370 = tpu.memref_slice %arg6[%dma_wait3A_363, %mul3A_159, %dma_wait3A_369] : memref<3x8192x128xf32, #tpu.memory_space<hbm>> -> memref<1x128x128xf32, #tpu.memory_space<hbm>>
    %dma_wait3A_371 = tpu.memref_squeeze %dma_wait3A_370 : memref<1x128x128xf32, #tpu.memory_space<hbm>> -> memref<128x128xf32, #tpu.memory_space<hbm>>
    %dma_wait3A_372 = tpu.memref_slice %arg10[%dma_wait3A_364] : memref<6x!tpu.dma_semaphore, #tpu.memory_space<semaphore_mem>> -> memref<1x!tpu.dma_semaphore, #tpu.memory_space<semaphore_mem>>
    %dma_wait3A_373 = tpu.memref_squeeze %dma_wait3A_372 : memref<1x!tpu.dma_semaphore, #tpu.memory_space<semaphore_mem>> -> memref<!tpu.dma_semaphore, #tpu.memory_space<semaphore_mem>>
    %dma_wait3A_374 = arith.constant 0 : i32
    %dma_wait3A_375 = tpu.memref_slice %arg6[%dma_wait3A_363, %mul3A_159, %dma_wait3A_374] : memref<3x8192x128xf32, #tpu.memory_space<hbm>> -> memref<1x128x128xf32, #tpu.memory_space<hbm>>
    %dma_wait3A_376 = tpu.memref_squeeze %dma_wait3A_375 : memref<1x128x128xf32, #tpu.memory_space<hbm>> -> memref<128x128xf32, #tpu.memory_space<hbm>>
    %dma_wait3A_377 = arith.constant 0 : i32
    %dma_wait3A_378 = arith.constant 0 : i32
    %dma_wait3A_379 = tpu.memref_slice %arg8[%dma_wait3A_362, %dma_wait3A_377, %dma_wait3A_378] : memref<6x128x128xf32, #tpu.memory_space<vmem>> -> memref<1x128x128xf32, #tpu.memory_space<vmem>>
    %dma_wait3A_380 = tpu.memref_squeeze %dma_wait3A_379 : memref<1x128x128xf32, #tpu.memory_space<vmem>> -> memref<128x128xf32, #tpu.memory_space<vmem>>
    tpu.wait_dma2 semaphore(%dma_wait3A_373 : memref<!tpu.dma_semaphore, #tpu.memory_space<semaphore_mem>>) src(%dma_wait3A_380 : memref<128x128xf32, #tpu.memory_space<vmem>>) dst(%dma_wait3A_376 : memref<128x128xf32, #tpu.memory_space<hbm>>)
    %dma_wait3A_381 = arith.constant 2 : i32
    %dma_wait3A_382 = arith.constant 1 : i32
    %dma_wait3A_383 = arith.constant 2 : i32
    %dma_wait3A_384 = arith.constant 0 : i32
    %dma_wait3A_385 = arith.constant 0 : i32
    %dma_wait3A_386 = tpu.memref_slice %arg8[%dma_wait3A_381, %dma_wait3A_384, %dma_wait3A_385] : memref<6x128x128xf32, #tpu.memory_space<vmem>> -> memref<1x128x128xf32, #tpu.memory_space<vmem>>
    %dma_wait3A_387 = tpu.memref_squeeze %dma_wait3A_386 : memref<1x128x128xf32, #tpu.memory_space<vmem>> -> memref<128x128xf32, #tpu.memory_space<vmem>>
    %dma_wait3A_388 = arith.constant 0 : i32
    %dma_wait3A_389 = tpu.memref_slice %arg6[%dma_wait3A_382, %mul3A_200, %dma_wait3A_388] : memref<3x8192x128xf32, #tpu.memory_space<hbm>> -> memref<1x128x128xf32, #tpu.memory_space<hbm>>
    %dma_wait3A_390 = tpu.memref_squeeze %dma_wait3A_389 : memref<1x128x128xf32, #tpu.memory_space<hbm>> -> memref<128x128xf32, #tpu.memory_space<hbm>>
    %dma_wait3A_391 = tpu.memref_slice %arg10[%dma_wait3A_383] : memref<6x!tpu.dma_semaphore, #tpu.memory_space<semaphore_mem>> -> memref<1x!tpu.dma_semaphore, #tpu.memory_space<semaphore_mem>>
    %dma_wait3A_392 = tpu.memref_squeeze %dma_wait3A_391 : memref<1x!tpu.dma_semaphore, #tpu.memory_space<semaphore_mem>> -> memref<!tpu.dma_semaphore, #tpu.memory_space<semaphore_mem>>
    %dma_wait3A_393 = arith.constant 0 : i32
    %dma_wait3A_394 = tpu.memref_slice %arg6[%dma_wait3A_382, %mul3A_200, %dma_wait3A_393] : memref<3x8192x128xf32, #tpu.memory_space<hbm>> -> memref<1x128x128xf32, #tpu.memory_space<hbm>>
    %dma_wait3A_395 = tpu.memref_squeeze %dma_wait3A_394 : memref<1x128x128xf32, #tpu.memory_space<hbm>> -> memref<128x128xf32, #tpu.memory_space<hbm>>
    %dma_wait3A_396 = arith.constant 0 : i32
    %dma_wait3A_397 = arith.constant 0 : i32
    %dma_wait3A_398 = tpu.memref_slice %arg8[%dma_wait3A_381, %dma_wait3A_396, %dma_wait3A_397] : memref<6x128x128xf32, #tpu.memory_space<vmem>> -> memref<1x128x128xf32, #tpu.memory_space<vmem>>
    %dma_wait3A_399 = tpu.memref_squeeze %dma_wait3A_398 : memref<1x128x128xf32, #tpu.memory_space<vmem>> -> memref<128x128xf32, #tpu.memory_space<vmem>>
    tpu.wait_dma2 semaphore(%dma_wait3A_392 : memref<!tpu.dma_semaphore, #tpu.memory_space<semaphore_mem>>) src(%dma_wait3A_399 : memref<128x128xf32, #tpu.memory_space<vmem>>) dst(%dma_wait3A_395 : memref<128x128xf32, #tpu.memory_space<hbm>>)
    %dma_wait3A_400 = arith.constant 3 : i32
    %dma_wait3A_401 = arith.constant 1 : i32
    %dma_wait3A_402 = arith.constant 3 : i32
    %dma_wait3A_403 = arith.constant 0 : i32
    %dma_wait3A_404 = arith.constant 0 : i32
    %dma_wait3A_405 = tpu.memref_slice %arg8[%dma_wait3A_400, %dma_wait3A_403, %dma_wait3A_404] : memref<6x128x128xf32, #tpu.memory_space<vmem>> -> memref<1x128x128xf32, #tpu.memory_space<vmem>>
    %dma_wait3A_406 = tpu.memref_squeeze %dma_wait3A_405 : memref<1x128x128xf32, #tpu.memory_space<vmem>> -> memref<128x128xf32, #tpu.memory_space<vmem>>
    %dma_wait3A_407 = arith.constant 0 : i32
    %dma_wait3A_408 = tpu.memref_slice %arg6[%dma_wait3A_401, %mul3A_241, %dma_wait3A_407] : memref<3x8192x128xf32, #tpu.memory_space<hbm>> -> memref<1x128x128xf32, #tpu.memory_space<hbm>>
    %dma_wait3A_409 = tpu.memref_squeeze %dma_wait3A_408 : memref<1x128x128xf32, #tpu.memory_space<hbm>> -> memref<128x128xf32, #tpu.memory_space<hbm>>
    %dma_wait3A_410 = tpu.memref_slice %arg10[%dma_wait3A_402] : memref<6x!tpu.dma_semaphore, #tpu.memory_space<semaphore_mem>> -> memref<1x!tpu.dma_semaphore, #tpu.memory_space<semaphore_mem>>
    %dma_wait3A_411 = tpu.memref_squeeze %dma_wait3A_410 : memref<1x!tpu.dma_semaphore, #tpu.memory_space<semaphore_mem>> -> memref<!tpu.dma_semaphore, #tpu.memory_space<semaphore_mem>>
    %dma_wait3A_412 = arith.constant 0 : i32
    %dma_wait3A_413 = tpu.memref_slice %arg6[%dma_wait3A_401, %mul3A_241, %dma_wait3A_412] : memref<3x8192x128xf32, #tpu.memory_space<hbm>> -> memref<1x128x128xf32, #tpu.memory_space<hbm>>
    %dma_wait3A_414 = tpu.memref_squeeze %dma_wait3A_413 : memref<1x128x128xf32, #tpu.memory_space<hbm>> -> memref<128x128xf32, #tpu.memory_space<hbm>>
    %dma_wait3A_415 = arith.constant 0 : i32
    %dma_wait3A_416 = arith.constant 0 : i32
    %dma_wait3A_417 = tpu.memref_slice %arg8[%dma_wait3A_400, %dma_wait3A_415, %dma_wait3A_416] : memref<6x128x128xf32, #tpu.memory_space<vmem>> -> memref<1x128x128xf32, #tpu.memory_space<vmem>>
    %dma_wait3A_418 = tpu.memref_squeeze %dma_wait3A_417 : memref<1x128x128xf32, #tpu.memory_space<vmem>> -> memref<128x128xf32, #tpu.memory_space<vmem>>
    tpu.wait_dma2 semaphore(%dma_wait3A_411 : memref<!tpu.dma_semaphore, #tpu.memory_space<semaphore_mem>>) src(%dma_wait3A_418 : memref<128x128xf32, #tpu.memory_space<vmem>>) dst(%dma_wait3A_414 : memref<128x128xf32, #tpu.memory_space<hbm>>)
    %dma_wait3A_419 = arith.constant 4 : i32
    %dma_wait3A_420 = arith.constant 2 : i32
    %dma_wait3A_421 = arith.constant 4 : i32
    %dma_wait3A_422 = arith.constant 0 : i32
    %dma_wait3A_423 = arith.constant 0 : i32
    %dma_wait3A_424 = tpu.memref_slice %arg8[%dma_wait3A_419, %dma_wait3A_422, %dma_wait3A_423] : memref<6x128x128xf32, #tpu.memory_space<vmem>> -> memref<1x128x128xf32, #tpu.memory_space<vmem>>
    %dma_wait3A_425 = tpu.memref_squeeze %dma_wait3A_424 : memref<1x128x128xf32, #tpu.memory_space<vmem>> -> memref<128x128xf32, #tpu.memory_space<vmem>>
    %dma_wait3A_426 = arith.constant 0 : i32
    %dma_wait3A_427 = tpu.memref_slice %arg6[%dma_wait3A_420, %mul3A_282, %dma_wait3A_426] : memref<3x8192x128xf32, #tpu.memory_space<hbm>> -> memref<1x128x128xf32, #tpu.memory_space<hbm>>
    %dma_wait3A_428 = tpu.memref_squeeze %dma_wait3A_427 : memref<1x128x128xf32, #tpu.memory_space<hbm>> -> memref<128x128xf32, #tpu.memory_space<hbm>>
    %dma_wait3A_429 = tpu.memref_slice %arg10[%dma_wait3A_421] : memref<6x!tpu.dma_semaphore, #tpu.memory_space<semaphore_mem>> -> memref<1x!tpu.dma_semaphore, #tpu.memory_space<semaphore_mem>>
    %dma_wait3A_430 = tpu.memref_squeeze %dma_wait3A_429 : memref<1x!tpu.dma_semaphore, #tpu.memory_space<semaphore_mem>> -> memref<!tpu.dma_semaphore, #tpu.memory_space<semaphore_mem>>
    %dma_wait3A_431 = arith.constant 0 : i32
    %dma_wait3A_432 = tpu.memref_slice %arg6[%dma_wait3A_420, %mul3A_282, %dma_wait3A_431] : memref<3x8192x128xf32, #tpu.memory_space<hbm>> -> memref<1x128x128xf32, #tpu.memory_space<hbm>>
    %dma_wait3A_433 = tpu.memref_squeeze %dma_wait3A_432 : memref<1x128x128xf32, #tpu.memory_space<hbm>> -> memref<128x128xf32, #tpu.memory_space<hbm>>
    %dma_wait3A_434 = arith.constant 0 : i32
    %dma_wait3A_435 = arith.constant 0 : i32
    %dma_wait3A_436 = tpu.memref_slice %arg8[%dma_wait3A_419, %dma_wait3A_434, %dma_wait3A_435] : memref<6x128x128xf32, #tpu.memory_space<vmem>> -> memref<1x128x128xf32, #tpu.memory_space<vmem>>
    %dma_wait3A_437 = tpu.memref_squeeze %dma_wait3A_436 : memref<1x128x128xf32, #tpu.memory_space<vmem>> -> memref<128x128xf32, #tpu.memory_space<vmem>>
    tpu.wait_dma2 semaphore(%dma_wait3A_430 : memref<!tpu.dma_semaphore, #tpu.memory_space<semaphore_mem>>) src(%dma_wait3A_437 : memref<128x128xf32, #tpu.memory_space<vmem>>) dst(%dma_wait3A_433 : memref<128x128xf32, #tpu.memory_space<hbm>>)
    %dma_wait3A_438 = arith.constant 5 : i32
    %dma_wait3A_439 = arith.constant 2 : i32
    %dma_wait3A_440 = arith.constant 5 : i32
    %dma_wait3A_441 = arith.constant 0 : i32
    %dma_wait3A_442 = arith.constant 0 : i32
    %dma_wait3A_443 = tpu.memref_slice %arg8[%dma_wait3A_438, %dma_wait3A_441, %dma_wait3A_442] : memref<6x128x128xf32, #tpu.memory_space<vmem>> -> memref<1x128x128xf32, #tpu.memory_space<vmem>>
    %dma_wait3A_444 = tpu.memref_squeeze %dma_wait3A_443 : memref<1x128x128xf32, #tpu.memory_space<vmem>> -> memref<128x128xf32, #tpu.memory_space<vmem>>
    %dma_wait3A_445 = arith.constant 0 : i32
    %dma_wait3A_446 = tpu.memref_slice %arg6[%dma_wait3A_439, %mul3A_323, %dma_wait3A_445] : memref<3x8192x128xf32, #tpu.memory_space<hbm>> -> memref<1x128x128xf32, #tpu.memory_space<hbm>>
    %dma_wait3A_447 = tpu.memref_squeeze %dma_wait3A_446 : memref<1x128x128xf32, #tpu.memory_space<hbm>> -> memref<128x128xf32, #tpu.memory_space<hbm>>
    %dma_wait3A_448 = tpu.memref_slice %arg10[%dma_wait3A_440] : memref<6x!tpu.dma_semaphore, #tpu.memory_space<semaphore_mem>> -> memref<1x!tpu.dma_semaphore, #tpu.memory_space<semaphore_mem>>
    %dma_wait3A_449 = tpu.memref_squeeze %dma_wait3A_448 : memref<1x!tpu.dma_semaphore, #tpu.memory_space<semaphore_mem>> -> memref<!tpu.dma_semaphore, #tpu.memory_space<semaphore_mem>>
    %dma_wait3A_450 = arith.constant 0 : i32
    %dma_wait3A_451 = tpu.memref_slice %arg6[%dma_wait3A_439, %mul3A_323, %dma_wait3A_450] : memref<3x8192x128xf32, #tpu.memory_space<hbm>> -> memref<1x128x128xf32, #tpu.memory_space<hbm>>
    %dma_wait3A_452 = tpu.memref_squeeze %dma_wait3A_451 : memref<1x128x128xf32, #tpu.memory_space<hbm>> -> memref<128x128xf32, #tpu.memory_space<hbm>>
    %dma_wait3A_453 = arith.constant 0 : i32
    %dma_wait3A_454 = arith.constant 0 : i32
    %dma_wait3A_455 = tpu.memref_slice %arg8[%dma_wait3A_438, %dma_wait3A_453, %dma_wait3A_454] : memref<6x128x128xf32, #tpu.memory_space<vmem>> -> memref<1x128x128xf32, #tpu.memory_space<vmem>>
    %dma_wait3A_456 = tpu.memref_squeeze %dma_wait3A_455 : memref<1x128x128xf32, #tpu.memory_space<vmem>> -> memref<128x128xf32, #tpu.memory_space<vmem>>
    tpu.wait_dma2 semaphore(%dma_wait3A_449 : memref<!tpu.dma_semaphore, #tpu.memory_space<semaphore_mem>>) src(%dma_wait3A_456 : memref<128x128xf32, #tpu.memory_space<vmem>>) dst(%dma_wait3A_452 : memref<128x128xf32, #tpu.memory_space<hbm>>)
    return
  }
}

module attributes {stable_mosaic.version = 14 : i64} {
  func.func @body(%arg0: i32, %arg1: memref<3x4096x128xf32, #tpu.memory_space<vmem>>, %arg2: memref<4096x256xf32, #tpu.memory_space<vmem>>, %arg3: memref<640x512xbf16, #tpu.memory_space<vmem>>, %arg4: memref<1x512xf32, #tpu.memory_space<vmem>>, %arg5: memref<512x128xbf16, #tpu.memory_space<vmem>>, %arg6: memref<1x128xf32, #tpu.memory_space<vmem>>, %arg7: memref<1x128xf32, #tpu.memory_space<vmem>>, %arg8: memref<1x1xf32, #tpu.memory_space<vmem>>, %arg9: memref<4096x1xf32, #tpu.memory_space<vmem>>) attributes {dimension_semantics = [#tpu.dimension_semantics<arbitrary>], iteration_bounds = array<i64: 2>, scalar_prefetch = 0 : i64, scratch_operands = 0 : i64, tpu.core_type = #tpu.core_type<tc>, window_params = [{transform_indices = @transform_0, window_bounds = array<i64: 3, 4096, 128>}, {transform_indices = @transform_1, window_bounds = array<i64: 4096, 256>}, {pipeline_mode = #tpu.pipeline_mode<synchronous>, transform_indices = @transform_2, window_bounds = array<i64: 640, 512>}, {pipeline_mode = #tpu.pipeline_mode<synchronous>, transform_indices = @transform_3, window_bounds = array<i64: 1, 512>}, {pipeline_mode = #tpu.pipeline_mode<synchronous>, transform_indices = @transform_4, window_bounds = array<i64: 512, 128>}, {pipeline_mode = #tpu.pipeline_mode<synchronous>, transform_indices = @transform_5, window_bounds = array<i64: 1, 128>}, {pipeline_mode = #tpu.pipeline_mode<synchronous>, transform_indices = @transform_6, window_bounds = array<i64: 1, 128>}, {pipeline_mode = #tpu.pipeline_mode<synchronous>, transform_indices = @transform_7, window_bounds = array<i64: 1, 1>}, {transform_indices = @transform_8, window_bounds = array<i64: 4096, 1>}]} {
    %get3A = arith.constant 0 : index
    %get3A_0 = arith.constant 0 : index
    %get3A_1 = vector.load %arg2[%get3A, %get3A_0] : memref<4096x256xf32, #tpu.memory_space<vmem>>, vector<4096x256xf32>
    %convert_element_type3A = arith.truncf %get3A_1 : vector<4096x256xf32> to vector<4096x256xbf16>
    %get3A_2 = arith.constant 0 : index
    %get3A_3 = arith.constant 0 : index
    %get3A_4 = arith.constant 0 : index
    %get3A_5 = vector.load %arg1[%get3A_2, %get3A_3, %get3A_4] : memref<3x4096x128xf32, #tpu.memory_space<vmem>>, vector<1x4096x128xf32>
    %get3A_6 = vector.shape_cast %get3A_5 : vector<1x4096x128xf32> to vector<4096x128xf32>
    %convert_element_type3A_7 = arith.truncf %get3A_6 : vector<4096x128xf32> to vector<4096x128xbf16>
    %get3A_8 = arith.constant 1 : index
    %get3A_9 = arith.constant 0 : index
    %get3A_10 = arith.constant 0 : index
    %get3A_11 = vector.load %arg1[%get3A_8, %get3A_9, %get3A_10] : memref<3x4096x128xf32, #tpu.memory_space<vmem>>, vector<1x4096x128xf32>
    %get3A_12 = vector.shape_cast %get3A_11 : vector<1x4096x128xf32> to vector<4096x128xf32>
    %convert_element_type3A_13 = arith.truncf %get3A_12 : vector<4096x128xf32> to vector<4096x128xbf16>
    %get3A_14 = arith.constant 2 : index
    %get3A_15 = arith.constant 0 : index
    %get3A_16 = arith.constant 0 : index
    %get3A_17 = vector.load %arg1[%get3A_14, %get3A_15, %get3A_16] : memref<3x4096x128xf32, #tpu.memory_space<vmem>>, vector<1x4096x128xf32>
    %get3A_18 = vector.shape_cast %get3A_17 : vector<1x4096x128xf32> to vector<4096x128xf32>
    %convert_element_type3A_19 = arith.truncf %get3A_18 : vector<4096x128xf32> to vector<4096x128xbf16>
    %concatenate3A = tpu.concatenate %convert_element_type3A, %convert_element_type3A_7, %convert_element_type3A_13, %convert_element_type3A_19 in 1 : vector<4096x256xbf16>, vector<4096x128xbf16>, vector<4096x128xbf16>, vector<4096x128xbf16> -> vector<4096x640xbf16>
    %get3A_20 = arith.constant 0 : index
    %get3A_21 = arith.constant 0 : index
    %get3A_22 = vector.load %arg3[%get3A_20, %get3A_21] : memref<640x512xbf16, #tpu.memory_space<vmem>>, vector<640x512xbf16>
    %dot_general3A = arith.constant dense<0.000000e+00> : vector<4096x512xf32>
    %dot_general3A_23 = tpu.matmul %concatenate3A, %get3A_22, %dot_general3A {dimension_numbers = #tpu.dot_dimension_numbers<[1], [0], [0], [1], [0, 0, 1, 1], [], []>, transpose_lhs_hint = false} : vector<4096x640xbf16>, vector<640x512xbf16>, vector<4096x512xf32> -> vector<4096x512xf32>
    %get3A_24 = arith.constant 0 : index
    %get3A_25 = arith.constant 0 : index
    %get3A_26 = vector.load %arg4[%get3A_24, %get3A_25] : memref<1x512xf32, #tpu.memory_space<vmem>>, vector<1x512xf32>
    %add3A = vector.broadcast %get3A_26 : vector<1x512xf32> to vector<4096x512xf32>
    %add3A_27 = arith.addf %dot_general3A_23, %add3A : vector<4096x512xf32>
    %max3A = arith.constant 0.000000e+00 : f32
    %max3A_28 = vector.broadcast %max3A : f32 to vector<4096x512xf32>
    %max3A_29 = arith.maximumf %add3A_27, %max3A_28 : vector<4096x512xf32>
    %convert_element_type3A_30 = arith.truncf %max3A_29 : vector<4096x512xf32> to vector<4096x512xbf16>
    %get3A_31 = arith.constant 0 : index
    %get3A_32 = arith.constant 0 : index
    %get3A_33 = vector.load %arg5[%get3A_31, %get3A_32] : memref<512x128xbf16, #tpu.memory_space<vmem>>, vector<512x128xbf16>
    %dot_general3A_34 = arith.constant dense<0.000000e+00> : vector<4096x128xf32>
    %dot_general3A_35 = tpu.matmul %convert_element_type3A_30, %get3A_33, %dot_general3A_34 {dimension_numbers = #tpu.dot_dimension_numbers<[1], [0], [0], [1], [0, 0, 1, 1], [], []>, transpose_lhs_hint = false} : vector<4096x512xbf16>, vector<512x128xbf16>, vector<4096x128xf32> -> vector<4096x128xf32>
    %get3A_36 = arith.constant 0 : index
    %get3A_37 = arith.constant 0 : index
    %get3A_38 = vector.load %arg6[%get3A_36, %get3A_37] : memref<1x128xf32, #tpu.memory_space<vmem>>, vector<1x128xf32>
    %add3A_39 = vector.broadcast %get3A_38 : vector<1x128xf32> to vector<4096x128xf32>
    %add3A_40 = arith.addf %dot_general3A_35, %add3A_39 : vector<4096x128xf32>
    %max3A_41 = arith.constant 0.000000e+00 : f32
    %max3A_42 = vector.broadcast %max3A_41 : f32 to vector<4096x128xf32>
    %max3A_43 = arith.maximumf %add3A_40, %max3A_42 : vector<4096x128xf32>
    %get3A_44 = arith.constant 0 : index
    %get3A_45 = arith.constant 0 : index
    %get3A_46 = vector.load %arg7[%get3A_44, %get3A_45] : memref<1x128xf32, #tpu.memory_space<vmem>>, vector<1x128xf32>
    %mul3A = vector.broadcast %get3A_46 : vector<1x128xf32> to vector<4096x128xf32>
    %mul3A_47 = arith.mulf %max3A_43, %mul3A : vector<4096x128xf32>
    %reduce_sum3A = arith.constant dense<0.000000e+00> : vector<4096xf32>
    %reduce_sum3A_48 = vector.multi_reduction <add>, %mul3A_47, %reduce_sum3A [1] : vector<4096x128xf32> to vector<4096xf32>
    %broadcast_in_dim3A = vector.shape_cast %reduce_sum3A_48 : vector<4096xf32> to vector<4096x1xf32>
    %get3A_49 = arith.constant 0 : index
    %get3A_50 = arith.constant 0 : index
    %get3A_51 = vector.load %arg8[%get3A_49, %get3A_50] : memref<1x1xf32, #tpu.memory_space<vmem>>, vector<1x1xf32>
    %add3A_52 = vector.broadcast %get3A_51 : vector<1x1xf32> to vector<4096x1xf32>
    %add3A_53 = arith.addf %broadcast_in_dim3A, %add3A_52 : vector<4096x1xf32>
    %swap3A = arith.constant 0 : index
    %swap3A_54 = arith.constant 0 : index
    %swap3A_55 = vector.load %arg9[%swap3A, %swap3A_54] : memref<4096x1xf32, #tpu.memory_space<vmem>>, vector<4096x1xf32>
    tpu.vector_store %arg9[%swap3A, %swap3A_54], %add3A_53 {strides = array<i32>} : memref<4096x1xf32, #tpu.memory_space<vmem>>, vector<4096x1xf32>,
    return
  }
  func.func @transform_0(%arg0: i32) -> (i32, i32, i32) {
    %c0_i32 = arith.constant 0 : i32
    %c0_i32_0 = arith.constant 0 : i32
    %c0_i32_1 = arith.constant 0 : i32
    return %c0_i32, %arg0, %c0_i32_0 : i32, i32, i32
  }
  func.func @transform_1(%arg0: i32) -> (i32, i32) {
    %add3A = arith.constant 0 : i32
    %add3A_0 = arith.addi %arg0, %add3A : i32
    %c0_i32 = arith.constant 0 : i32
    %c0_i32_1 = arith.constant 0 : i32
    return %add3A_0, %c0_i32 : i32, i32
  }
  func.func @transform_2(%arg0: i32) -> (i32, i32) {
    %c0_i32 = arith.constant 0 : i32
    %c0_i32_0 = arith.constant 0 : i32
    %c0_i32_1 = arith.constant 0 : i32
    return %c0_i32, %c0_i32_0 : i32, i32
  }
  func.func @transform_3(%arg0: i32) -> (i32, i32) {
    %c0_i32 = arith.constant 0 : i32
    %c0_i32_0 = arith.constant 0 : i32
    %c0_i32_1 = arith.constant 0 : i32
    return %c0_i32, %c0_i32_0 : i32, i32
  }
  func.func @transform_4(%arg0: i32) -> (i32, i32) {
    %c0_i32 = arith.constant 0 : i32
    %c0_i32_0 = arith.constant 0 : i32
    %c0_i32_1 = arith.constant 0 : i32
    return %c0_i32, %c0_i32_0 : i32, i32
  }
  func.func @transform_5(%arg0: i32) -> (i32, i32) {
    %c0_i32 = arith.constant 0 : i32
    %c0_i32_0 = arith.constant 0 : i32
    %c0_i32_1 = arith.constant 0 : i32
    return %c0_i32, %c0_i32_0 : i32, i32
  }
  func.func @transform_6(%arg0: i32) -> (i32, i32) {
    %c0_i32 = arith.constant 0 : i32
    %c0_i32_0 = arith.constant 0 : i32
    %c0_i32_1 = arith.constant 0 : i32
    return %c0_i32, %c0_i32_0 : i32, i32
  }
  func.func @transform_7(%arg0: i32) -> (i32, i32) {
    %c0_i32 = arith.constant 0 : i32
    %c0_i32_0 = arith.constant 0 : i32
    %c0_i32_1 = arith.constant 0 : i32
    return %c0_i32, %c0_i32_0 : i32, i32
  }
  func.func @transform_8(%arg0: i32) -> (i32, i32) {
    %c0_i32 = arith.constant 0 : i32
    %c0_i32_0 = arith.constant 0 : i32
    return %arg0, %c0_i32 : i32, i32
  }
}

module attributes {stable_mosaic.version = 14 : i64} {
  func.func @body(%arg0: i32, %arg1: memref<3x4096x128xf32, #tpu.memory_space<vmem>>, %arg2: memref<4096x256xf32, #tpu.memory_space<vmem>>, %arg3: memref<640x512xbf16, #tpu.memory_space<vmem>>, %arg4: memref<1x512xf32, #tpu.memory_space<vmem>>, %arg5: memref<512x128xbf16, #tpu.memory_space<vmem>>, %arg6: memref<1x128xf32, #tpu.memory_space<vmem>>, %arg7: memref<1x128xf32, #tpu.memory_space<vmem>>, %arg8: memref<1x1xf32, #tpu.memory_space<vmem>>, %arg9: memref<4096x1xf32, #tpu.memory_space<vmem>>) attributes {dimension_semantics = [#tpu.dimension_semantics<arbitrary>], iteration_bounds = array<i64: 2>, scalar_prefetch = 0 : i64, scratch_operands = 0 : i64, tpu.core_type = #tpu.core_type<tc>, window_params = [{transform_indices = @transform_0, window_bounds = array<i64: 3, 4096, 128>}, {transform_indices = @transform_1, window_bounds = array<i64: 4096, 256>}, {pipeline_mode = #tpu.pipeline_mode<synchronous>, transform_indices = @transform_2, window_bounds = array<i64: 640, 512>}, {pipeline_mode = #tpu.pipeline_mode<synchronous>, transform_indices = @transform_3, window_bounds = array<i64: 1, 512>}, {pipeline_mode = #tpu.pipeline_mode<synchronous>, transform_indices = @transform_4, window_bounds = array<i64: 512, 128>}, {pipeline_mode = #tpu.pipeline_mode<synchronous>, transform_indices = @transform_5, window_bounds = array<i64: 1, 128>}, {pipeline_mode = #tpu.pipeline_mode<synchronous>, transform_indices = @transform_6, window_bounds = array<i64: 1, 128>}, {pipeline_mode = #tpu.pipeline_mode<synchronous>, transform_indices = @transform_7, window_bounds = array<i64: 1, 1>}, {transform_indices = @transform_8, window_bounds = array<i64: 4096, 1>}]} {
    %get3A = arith.constant 0 : index
    %get3A_0 = arith.constant 0 : index
    %get3A_1 = vector.load %arg2[%get3A, %get3A_0] : memref<4096x256xf32, #tpu.memory_space<vmem>>, vector<4096x256xf32>
    %convert_element_type3A = arith.truncf %get3A_1 : vector<4096x256xf32> to vector<4096x256xbf16>
    %get3A_2 = arith.constant 0 : index
    %get3A_3 = arith.constant 0 : index
    %get3A_4 = arith.constant 0 : index
    %get3A_5 = vector.load %arg1[%get3A_2, %get3A_3, %get3A_4] : memref<3x4096x128xf32, #tpu.memory_space<vmem>>, vector<1x4096x128xf32>
    %get3A_6 = vector.shape_cast %get3A_5 : vector<1x4096x128xf32> to vector<4096x128xf32>
    %convert_element_type3A_7 = arith.truncf %get3A_6 : vector<4096x128xf32> to vector<4096x128xbf16>
    %get3A_8 = arith.constant 1 : index
    %get3A_9 = arith.constant 0 : index
    %get3A_10 = arith.constant 0 : index
    %get3A_11 = vector.load %arg1[%get3A_8, %get3A_9, %get3A_10] : memref<3x4096x128xf32, #tpu.memory_space<vmem>>, vector<1x4096x128xf32>
    %get3A_12 = vector.shape_cast %get3A_11 : vector<1x4096x128xf32> to vector<4096x128xf32>
    %convert_element_type3A_13 = arith.truncf %get3A_12 : vector<4096x128xf32> to vector<4096x128xbf16>
    %get3A_14 = arith.constant 2 : index
    %get3A_15 = arith.constant 0 : index
    %get3A_16 = arith.constant 0 : index
    %get3A_17 = vector.load %arg1[%get3A_14, %get3A_15, %get3A_16] : memref<3x4096x128xf32, #tpu.memory_space<vmem>>, vector<1x4096x128xf32>
    %get3A_18 = vector.shape_cast %get3A_17 : vector<1x4096x128xf32> to vector<4096x128xf32>
    %convert_element_type3A_19 = arith.truncf %get3A_18 : vector<4096x128xf32> to vector<4096x128xbf16>
    %concatenate3A = tpu.concatenate %convert_element_type3A, %convert_element_type3A_7, %convert_element_type3A_13, %convert_element_type3A_19 in 1 : vector<4096x256xbf16>, vector<4096x128xbf16>, vector<4096x128xbf16>, vector<4096x128xbf16> -> vector<4096x640xbf16>
    %get3A_20 = arith.constant 0 : index
    %get3A_21 = arith.constant 0 : index
    %get3A_22 = vector.load %arg3[%get3A_20, %get3A_21] : memref<640x512xbf16, #tpu.memory_space<vmem>>, vector<640x512xbf16>
    %dot_general3A = arith.constant dense<0.000000e+00> : vector<4096x512xf32>
    %dot_general3A_23 = tpu.matmul %concatenate3A, %get3A_22, %dot_general3A {dimension_numbers = #tpu.dot_dimension_numbers<[1], [0], [0], [1], [0, 0, 1, 1], [], []>, transpose_lhs_hint = false} : vector<4096x640xbf16>, vector<640x512xbf16>, vector<4096x512xf32> -> vector<4096x512xf32>
    %get3A_24 = arith.constant 0 : index
    %get3A_25 = arith.constant 0 : index
    %get3A_26 = vector.load %arg4[%get3A_24, %get3A_25] : memref<1x512xf32, #tpu.memory_space<vmem>>, vector<1x512xf32>
    %add3A = vector.broadcast %get3A_26 : vector<1x512xf32> to vector<4096x512xf32>
    %add3A_27 = arith.addf %dot_general3A_23, %add3A : vector<4096x512xf32>
    %max3A = arith.constant 0.000000e+00 : f32
    %max3A_28 = vector.broadcast %max3A : f32 to vector<4096x512xf32>
    %max3A_29 = arith.maximumf %add3A_27, %max3A_28 : vector<4096x512xf32>
    %convert_element_type3A_30 = arith.truncf %max3A_29 : vector<4096x512xf32> to vector<4096x512xbf16>
    %get3A_31 = arith.constant 0 : index
    %get3A_32 = arith.constant 0 : index
    %get3A_33 = vector.load %arg5[%get3A_31, %get3A_32] : memref<512x128xbf16, #tpu.memory_space<vmem>>, vector<512x128xbf16>
    %dot_general3A_34 = arith.constant dense<0.000000e+00> : vector<4096x128xf32>
    %dot_general3A_35 = tpu.matmul %convert_element_type3A_30, %get3A_33, %dot_general3A_34 {dimension_numbers = #tpu.dot_dimension_numbers<[1], [0], [0], [1], [0, 0, 1, 1], [], []>, transpose_lhs_hint = false} : vector<4096x512xbf16>, vector<512x128xbf16>, vector<4096x128xf32> -> vector<4096x128xf32>
    %get3A_36 = arith.constant 0 : index
    %get3A_37 = arith.constant 0 : index
    %get3A_38 = vector.load %arg6[%get3A_36, %get3A_37] : memref<1x128xf32, #tpu.memory_space<vmem>>, vector<1x128xf32>
    %add3A_39 = vector.broadcast %get3A_38 : vector<1x128xf32> to vector<4096x128xf32>
    %add3A_40 = arith.addf %dot_general3A_35, %add3A_39 : vector<4096x128xf32>
    %max3A_41 = arith.constant 0.000000e+00 : f32
    %max3A_42 = vector.broadcast %max3A_41 : f32 to vector<4096x128xf32>
    %max3A_43 = arith.maximumf %add3A_40, %max3A_42 : vector<4096x128xf32>
    %get3A_44 = arith.constant 0 : index
    %get3A_45 = arith.constant 0 : index
    %get3A_46 = vector.load %arg7[%get3A_44, %get3A_45] : memref<1x128xf32, #tpu.memory_space<vmem>>, vector<1x128xf32>
    %mul3A = vector.broadcast %get3A_46 : vector<1x128xf32> to vector<4096x128xf32>
    %mul3A_47 = arith.mulf %max3A_43, %mul3A : vector<4096x128xf32>
    %reduce_sum3A = arith.constant dense<0.000000e+00> : vector<4096xf32>
    %reduce_sum3A_48 = vector.multi_reduction <add>, %mul3A_47, %reduce_sum3A [1] : vector<4096x128xf32> to vector<4096xf32>
    %broadcast_in_dim3A = vector.shape_cast %reduce_sum3A_48 : vector<4096xf32> to vector<4096x1xf32>
    %get3A_49 = arith.constant 0 : index
    %get3A_50 = arith.constant 0 : index
    %get3A_51 = vector.load %arg8[%get3A_49, %get3A_50] : memref<1x1xf32, #tpu.memory_space<vmem>>, vector<1x1xf32>
    %add3A_52 = vector.broadcast %get3A_51 : vector<1x1xf32> to vector<4096x1xf32>
    %add3A_53 = arith.addf %broadcast_in_dim3A, %add3A_52 : vector<4096x1xf32>
    %swap3A = arith.constant 0 : index
    %swap3A_54 = arith.constant 0 : index
    %swap3A_55 = vector.load %arg9[%swap3A, %swap3A_54] : memref<4096x1xf32, #tpu.memory_space<vmem>>, vector<4096x1xf32>
    tpu.vector_store %arg9[%swap3A, %swap3A_54], %add3A_53 {strides = array<i32>} : memref<4096x1xf32, #tpu.memory_space<vmem>>, vector<4096x1xf32>,
    return
  }
  func.func @transform_0(%arg0: i32) -> (i32, i32, i32) {
    %c0_i32 = arith.constant 0 : i32
    %c0_i32_0 = arith.constant 0 : i32
    %c0_i32_1 = arith.constant 0 : i32
    return %c0_i32, %arg0, %c0_i32_0 : i32, i32, i32
  }
  func.func @transform_1(%arg0: i32) -> (i32, i32) {
    %add3A = arith.constant 2 : i32
    %add3A_0 = arith.addi %arg0, %add3A : i32
    %c0_i32 = arith.constant 0 : i32
    %c0_i32_1 = arith.constant 0 : i32
    return %add3A_0, %c0_i32 : i32, i32
  }
  func.func @transform_2(%arg0: i32) -> (i32, i32) {
    %c0_i32 = arith.constant 0 : i32
    %c0_i32_0 = arith.constant 0 : i32
    %c0_i32_1 = arith.constant 0 : i32
    return %c0_i32, %c0_i32_0 : i32, i32
  }
  func.func @transform_3(%arg0: i32) -> (i32, i32) {
    %c0_i32 = arith.constant 0 : i32
    %c0_i32_0 = arith.constant 0 : i32
    %c0_i32_1 = arith.constant 0 : i32
    return %c0_i32, %c0_i32_0 : i32, i32
  }
  func.func @transform_4(%arg0: i32) -> (i32, i32) {
    %c0_i32 = arith.constant 0 : i32
    %c0_i32_0 = arith.constant 0 : i32
    %c0_i32_1 = arith.constant 0 : i32
    return %c0_i32, %c0_i32_0 : i32, i32
  }
  func.func @transform_5(%arg0: i32) -> (i32, i32) {
    %c0_i32 = arith.constant 0 : i32
    %c0_i32_0 = arith.constant 0 : i32
    %c0_i32_1 = arith.constant 0 : i32
    return %c0_i32, %c0_i32_0 : i32, i32
  }
  func.func @transform_6(%arg0: i32) -> (i32, i32) {
    %c0_i32 = arith.constant 0 : i32
    %c0_i32_0 = arith.constant 0 : i32
    %c0_i32_1 = arith.constant 0 : i32
    return %c0_i32, %c0_i32_0 : i32, i32
  }
  func.func @transform_7(%arg0: i32) -> (i32, i32) {
    %c0_i32 = arith.constant 0 : i32
    %c0_i32_0 = arith.constant 0 : i32
    %c0_i32_1 = arith.constant 0 : i32
    return %c0_i32, %c0_i32_0 : i32, i32
  }
  func.func @transform_8(%arg0: i32) -> (i32, i32) {
    %c0_i32 = arith.constant 0 : i32
    %c0_i32_0 = arith.constant 0 : i32
    return %arg0, %c0_i32 : i32, i32
  }
}

</mosaic_0001>

<sc_bundles>
// kernel: kernel.6.cloned.1.call-start
scs
__scs_entry_jumppad:
0x0: {  	(pc) =	sbr.rel $0x88, $3  }
0x1: {  	(tag) =	ssettag $0x0;
	lr =	simm.s32 $0x1  }
0x2: {  	[smem:$0x3F96] =	sst lr;
	_ =	strace $0xD0000000  }
0x3: {  	_ = 	snop  }
0x4: {  	_ = 	snop  }
0x5: {  	_ = 	snop  }
0x6: {  	_ = 	snop  }
0x7: {  	_ = 	snop  }
__scs_overlays_trampoline_lowered:
0x8: {  	[smem:$0x3FA5] =	sst s0  }
0x9: {  	[smem:$0x3FA6] =	sst s1  }
0xa: {  	[smem:$0x3FA7] =	sst s2  }
0xb: {  	[smem:$0x3FA8] =	sst s3  }
0xc: {  	[smem:$0x3FA9] =	sst s4  }
0xd: {  	[smem:$0x3FAA] =	sst s5  }
0xe: {  	[smem:$0x3FAB] =	sst s6  }
0xf: {  	[smem:$0x3FAC] =	sst s7  }
0x10: {  	[smem:$0x3FAD] =	sst s8  }
0x11: {  	[smem:$0x3FAE] =	sst s9;
	s0 =	simm.s32 @!p0 $0x0  }
0x12: {  	s1 =	sld [smem:$0x3F94];
	s0 =	simm.s32 @p0 $0x1  }
0x13: {  	[smem:$0x3FAF] =	sst s0;
	s0 =	simm.s32 @!p1 $0x0  }
0x14: {  	s2 =	sld [smem:$0x3F93];
	s0 =	simm.s32 @p1 $0x1  }
0x15: {  	[smem:$0x3FB0] =	sst s0;
	s0 =	simm.s32 @!p2 $0x0  }
0x16: {  	s3 =	sld [smem:$0x3FDB];
	s0 =	simm.s32 @p2 $0x1  }
0x17: {  	s4 =	simm.s32 $0x1BF5;
	[smem:$0x3FB2] =	sst s0  }
0x18: {  	s0 =	sld [smem:$0x3F95];
	_ =	swait.ge [sflag:s4], $0x0  }
0x19: {  	s7 =	sld [smem:$0x3F96]  }
0x1a: {  	s8 =	sadd.s32 $0xFFFFE003, lr  }
0x1b: {  	s9 =	sadd.s32 $0xFFFFFEF7, lr;
	s5 =	simm.s32 $0xFFFFFFFF;
	p2 =	slt.u32 s8, $0xFFFFF086  }
0x1c: {  	p1 =	slt.u32 s9, $0xF7A;
	s5 =	simm.s32 @!p2 $0x0  }
0x1d: {  	s5 =	simm.s32 @p1 $0x1;
	p0 =	seq.s32 s7, s2  }
0x1e: {  	s7 =	smul.u32 @!p0 $0xF7A, s2;
	p2 =	seq.s32 @!p0 s5, $0x0  }
0x1f: {  	s9 =	smul.u32 $0xF7A, s1;
	s8 =	simm.s32 @!p0 $0x1BF5;
	p2 =	por !p2, p0  }
0x20: {  	[sflag:s8] =	ssyncset.s32 @!p0 $0xFFFFF086;
	s6 =	sadd.s32 @!p0 s3, s7;
	s7 =	simm.s32 @!p0 $0x108  }
0x21: {  	s3 =	sadd.s32 s3, s9;
	s6 =	sadd.s32 @!p0 $0x88, s6;
	s7 =	simm.s32 @p2 $0x1082  }
0x22: {  	[simem:s7], [sflag:s8] =	dma.local @!p0 [hbm:s6], $0xF7A  }
0x23: {  	s9 =	sor.u32 $0xD0000000, s2;
	s6 =	simm.s32 $0x108;
	_ =	swait.ge @!p0 [sflag:s8], $0x0  }
0x24: {  	s3 =	sadd.s32 $0x88, s3;
	s6 =	simm.s32 @!p1 $0x1082;
	[sflag:s4] =	ssyncset.s32 $0xFFFFF086  }
0x25: {  	[simem:s6], [sflag:s4] =	dma.local [hbm:s3], $0xF7A  }
0x26: {  	[smem:$0x3F96] =	sst s1;
	(tag) =	ssettag s2;
	_ =	strace s9  }
0x27: {  	s1 =	sld [smem:$0x3FA6]  }
0x28: {  	s2 =	sld [smem:$0x3FA7]  }
0x29: {  	s4 =	sld [smem:$0x3FA9]  }
0x2a: {  	p0 =	seq.s32 s5, $0x0;
	s5 =	sld [smem:$0x3FAA]  }
0x2b: {  	s6 =	sld [smem:$0x3FAB]  }
0x2c: {  	s7 =	sld [smem:$0x3FAC]  }
0x2d: {  	s3 =	simm.s32 $0x108;
	s8 =	sld [smem:$0x3FAD]  }
0x2e: {  	s3 =	simm.s32 @!p0 $0x1082;
	s9 =	sld [smem:$0x3FAE]  }
0x2f: {  	lr =	sadd.s32 s0, s3;
	s0 =	sld [smem:$0x3FA5]  }
0x30: {  	s3 =	sld [smem:$0x3FA8]  }
0x31: {  	[smem:$0x3FB1] =	sst s10  }
0x32: {  	s10 =	sld [smem:$0x3FAF];
	_ =	sdelay $0x3  }
0x33: {  	p0 =	seq.s32 s10, $0x1;
	s10 =	sld [smem:$0x3FB1];
	_ =	sdelay $0x3  }
0x34: {  	[smem:$0x3FB1] =	sst s10  }
0x35: {  	s10 =	sld [smem:$0x3FB0];
	_ =	sdelay $0x3  }
0x36: {  	p1 =	seq.s32 s10, $0x1;
	s10 =	sld [smem:$0x3FB1];
	_ =	sdelay $0x3  }
0x37: {  	[smem:$0x3FB1] =	sst s10  }
0x38: {  	s10 =	sld [smem:$0x3FB2]  }
0x39: {  	_ = 	snop;
	(pc) =	sbr.ind lr, $3  }
0x3a: {  	_ = 	snop  }
0x3b: {  	_ = 	snop  }
0x3c: {  	p2 =	seq.s32 s10, $0x1;
	s10 =	sld [smem:$0x3FB1]  }
0x3d: {  	_ =	shalt  }
0x3e: {  	_ =	shalt  }
0x3f: {  	_ =	shalt  }
0x40: {  	_ =	shalt  }
0x41: {  	_ =	shalt  }
0x42: {  	_ =	shalt  }
0x43: {  	_ =	shalt  }
0x44: {  	_ =	shalt  }
0x45: {  	_ =	shalt  }
0x46: {  	_ =	shalt  }
0x47: {  	_ =	shalt  }
0x48: {  	_ =	shalt  }
0x49: {  	_ =	shalt  }
0x4a: {  	_ =	shalt  }
0x4b: {  	_ =	shalt  }
0x4c: {  	_ =	shalt  }
0x4d: {  	_ =	shalt  }
0x4e: {  	_ =	shalt  }
0x4f: {  	_ =	shalt  }
0x50: {  	_ =	shalt  }
0x51: {  	_ =	shalt  }
0x52: {  	_ =	shalt  }
0x53: {  	_ =	shalt  }
0x54: {  	_ =	shalt  }
0x55: {  	_ =	shalt  }
0x56: {  	_ =	shalt  }
0x57: {  	_ =	shalt  }
0x58: {  	_ =	shalt  }
0x59: {  	_ =	shalt  }
0x5a: {  	_ =	shalt  }
0x5b: {  	_ =	shalt  }
0x5c: {  	_ =	shalt  }
0x5d: {  	_ =	shalt  }
0x5e: {  	_ =	shalt  }
0x5f: {  	_ =	shalt  }
0x60: {  	_ =	shalt  }
0x61: {  	_ =	shalt  }
0x62: {  	_ =	shalt  }
0x63: {  	_ =	shalt  }
0x64: {  	_ =	shalt  }
0x65: {  	_ =	shalt  }
0x66: {  	_ =	shalt  }
0x67: {  	_ =	shalt  }
0x68: {  	_ =	shalt  }
0x69: {  	_ =	shalt  }
0x6a: {  	_ =	shalt  }
0x6b: {  	_ =	shalt  }
0x6c: {  	_ =	shalt  }
0x6d: {  	_ =	shalt  }
0x6e: {  	_ =	shalt  }
0x6f: {  	_ =	shalt  }
0x70: {  	_ =	shalt  }
0x71: {  	_ =	shalt  }
0x72: {  	_ =	shalt  }
0x73: {  	_ =	shalt  }
0x74: {  	_ =	shalt  }
0x75: {  	_ =	shalt  }
0x76: {  	_ =	shalt  }
0x77: {  	_ =	shalt  }
0x78: {  	_ =	shalt  }
0x79: {  	_ =	shalt  }
0x7a: {  	_ =	shalt  }
0x7b: {  	_ =	shalt  }
0x7c: {  	_ =	shalt  }
0x7d: {  	_ =	shalt  }
0x7e: {  	_ =	shalt  }
0x7f: {  	_ =	shalt  }
0x80: {  	_ =	shalt  }
0x81: {  	_ =	shalt  }
0x82: {  	_ =	shalt  }
0x83: {  	_ =	shalt  }
0x84: {  	_ =	shalt  }
0x85: {  	_ =	shalt  }
0x86: {  	_ =	shalt  }
0x87: {  	_ =	shalt  }
.Lfunc_end0:
.L_simem_size_0:
called_computation_lowered:
.L_overlay_start_0:
0x88: {  	s2 =	sld [smem:$0x3FD9]  }
0x89: {  	s3 =	sld [smem:$0x3FFE];
	_ =	sdelay $0x1  }
0x8a: {  	s1 =	srdreg.scid  }
0x8b: {  	s0 =	sand.u32 $0x1, s1  }
0x8c: {  	s17 =	sshll.u32 s0, $0xA;
	s2 =	sadd.s32 s3, s2  }
0x8d: {  	s2 =	sadd.s32 s2, s17  }
0x8e: {  	[smem:$0x3FBD] =	sst s2  }
0x8f: {  	_ = 	snop  }
0x90: {  	s2 =	sld [smem:$0x3FC7]  }
0x91: {  	s18 =	sld [smem:$0x3FC6]  }
0x92: {  	s4 =	sld [smem:$0x3FC5];
	(tm) =	ssettm $0x1  }
0x93: {  	s5 =	sld [smem:$0x3FFB];
	_ =	sdelay $0x3  }
0x94: {  	_ =	strace s5  }
0x95: {  	s5 =	sld [smem:$0x3FFC];
	_ =	sdelay $0x3  }
0x96: {  	_ =	strace s5  }
0x97: {  	s5 =	sld [smem:$0x3FFD];
	_ =	sdelay $0x3  }
0x98: {  	_ =	strace s5  }
0x99: {  	_ =	strace $0x8FFFFFFF  }
0x9a: {  	s19 =	sld [smem:$0x3FDB];
	_ =	sdelay $0x1  }
0x9b: {  	s6 =	simm.s32 $_scs_section_size  }
0x9c: {  	s7 =	simm.s32 $_size__tile_overlayer_lowered;
	s8 =	simm.s32 $_tile_overlayer_lowered  }
0x9d: {  	s22 =	simm.s32 $0x1BFF;
	s21 =	sshll.u32 s8, $0x1;
	s5 =	sadd.s32 s6, s19  }
0x9e: {  	s9 =	simm.s32 $0x0;
	s20 =	sshll.u32 s7, $0x1;
	s7 =	sadd.s32 s21, s5  }
0x9f: {  	[timem:s9], [sflag:s22] =	dma.local [hbm:s7], s20  }
0xa0: {  	_ =	swait.ge [sflag:s22], s20  }
0xa1: {  	s6 =	ssub.s32 $0x0, s20;
	[sflag:s22] =	ssyncset.done $0x0  }
0xa2: {  	[sflag:s22] =	ssyncadd.s32 s6;
	_ =	sdelay $0x1  }
0xa3: {  	s23 =	simm.s32 $0x1B8B  }
0xa4: {  	_ =	swait.ge [sflag:s23], $0x1  }
0xa5: {  	[sflag:s23] =	ssyncset.done $0x0  }
0xa6: {  	s25 =	simm.s32 $0x1B8E;
	s24 =	sld [smem:$0x3FFE];
	[sflag:s23] =	ssyncadd.s32 $0xFFFFFFFF  }
0xa7: {  	s26 =	simm.s32 $execute0_lowered;
	[smem:$0x3FD2] =	sst s25  }
0xa8: {  	s7 =	sshll.u32 s26, $0x1;
	_ =	strace $0x80000046;
	[dreg:$0x1] =	wrdreg $0xFFFFFFFF  }
0xa9: {  	s28 =	simm.s32 $_size_execute0_lowered;
	s5 =	sadd.s32 s5, s7;
	[dreg:$0x0] =	wrdreg $0x0  }
0xaa: {  	s7 =	sshll.u32 s28, $0x1;
	[dreg:$0x2] =	wrdreg s5  }
0xab: {  	[dreg:$0x3] =	wrdreg s7  }
0xac: {  	[dreg:$0x4] =	wrdreg $0xC0  }
0xad: {  	_ =	task [dreg:s9], $0x5FFFF  }
0xae: {  	[dreg:$0x1] =	wrdreg $0xFFFFFFFF  }
0xaf: {  	[dreg:$0x0] =	wrdreg $0x60  }
0xb0: {  	[dreg:$0x2] =	wrdreg s24  }
0xb1: {  	[dreg:$0x3] =	wrdreg s2  }
0xb2: {  	[dreg:$0x4] =	wrdreg s18  }
0xb3: {  	[dreg:$0x5] =	wrdreg s4  }
0xb4: {  	[dreg:$0x6] =	wrdreg $0x9  }
0xb5: {  	_ =	task.clear_ibuf [dreg:s9], $0x7FFFF;
	_ =	strace $0x90000046  }
0xb6: {  	s29 =	simm.s32 $0x9;
	_ =	strace $0x80000048  }
0xb7: {  	_ =	swait.ge [sflag:s29], $0x1  }
0xb8: {  	[sflag:s29] =	ssyncadd.s32 $0xFFFFFFFF  }
0xb9: {  	_ =	strace $0x90000048  }
0xba: {  	_ =	sfence  }
0xbb: {  	s30 =	sld [smem:$0x0];
	_ =	sdelay $0x2  }
0xbc: {  	s31 =	sshll.u32 s1, $0xD;
	s1 =	sshrl.u32 s1, $0x2  }
0xbd: {  	s3 =	sand.u32 $0x4000, s31;
	s1 =	sadd.s32 s1, s30  }
0xbe: {  	s0 =	sor.u32 s3, s0;
	s1 =	sshll.u32 s1, $0x11  }
0xbf: {  	s0 =	sor.u32 s1, s0  }
0xc0: {  	s0 =	sadd.s32 $0x8F2B, s0  }
0xc1: {  	[sflag:s0] =	ssyncadd.remote.s32 $0x1  }
0xc2: {  	_ =	sfence.sel $0xFFFF  }
0xc3: {  	[dreg:$0x0] =	wrdreg $0xFFFFFFFF;
	(pc) =	sbr.abs _section_cstart, $3  }
0xc4: {  	[dreg:$0x1] =	wrdreg $0xFFFFFFFF  }
0xc5: {  	_ =	task.clear_ibuf [dreg:s9], $0x2FFFF;
	_ =	strace $0x9FFFFFFF  }
0xc6: {  	(tm) =	ssettm $0x7FFFFFFF  }
0xc7: {  	_ =	shalt  }
tec
execute0_lowered:
.L_overlay_start_1:
0x0: {  	(tag) =	ssettag $0x1  }
0x1: {  	s0 =	rddreg [dreg:$0x0]  }
0x2: {  	s3 =	rddreg [dreg:$0x1]  }
0x3: {  	s1 =	srdreg.scid;
	s4 =	rddreg [dreg:$0x2]  }
0x4: {  	s2 =	stileid.u32;
	s5 =	rddreg [dreg:$0x3];
	s23 =	simm.s32 $0x200  }
0x5: {  	s25 =	simm.s32 $0xD;
	s22 =	simm.s32 $0x80;
	s20 =	simm.s32 $0x400  }
0x6: {  	s18 =	simm.s32 $0x4400;
	s16 =	simm.s32 $0x8400;
	s28 =	simm.s32 $0x280  }
0x7: {  	s30 =	simm.s32 $0x100;
	s31 =	simm.s32 $0x300;
	s29 =	simm.s32 $0x1  }
0x8: {  	s24 =	simm.s32 $0x2;
	s21 =	simm.s32 $0x3;
	s19 =	simm.s32 $0x4  }
0x9: {  	s17 =	simm.s32 $0x5;
	s1 =	sand.u32 $0x1, s1;
	s2 =	sshll.u32 s2, $0x1  }
0xa: {  	p0 =	por $0x0, $0x0;
	s6 =	sor.u32 s1, s2;
	s2 =	simm.s32 $0x0  }
0xb: {  	s1 =	ssub.s32 $0x2, s1;
	s7 =	sshll.u32 s6, $0x7;
	[smem:$0x7FF] =	sst s2  }
0xc: {  	s6 =	sshll.u32 s6, $0xC;
	s8 =	sshrl.u32 s1, $0x1;
	s7 =	sadd.s32 s7, s0  }
0xd: {  	_ =	strace $0x80000047;
	s0 =	sadd.s32 s6, s0;
	s9 =	sadd.s32 $0x1800, s7  }
0xe: {  	s1 =	ssub.s32 s1, s8;
	s10 =	sadd.s32 $0x3800, s0;
	[dreg:$0xb] =	wrdreg s9  }
0xf: {  	s8 =	simm.s32 $0x14400;
	s11 =	sadd.s32 $0x4000, s0;
	[dreg:$0x5] =	wrdreg s10  }
0x10: {  	s6 =	simm.s32 $0xC;
	s12 =	sadd.s32 $0x23800, s0;
	[dreg:$0x6] =	wrdreg s11  }
0x11: {  	s13 =	sadd.s32 $0x24000, s0;
	s15 =	smax.u32 s1, $0x1;
	[dreg:$0x7] =	wrdreg s12  }
0x12: {  	s14 =	sadd.s32 $0x43800, s0;
	[dreg:$0x8] =	wrdreg s13;
	p1 =	sne.s32 s15, $0x1  }
.Ltmp0:
0x13: {  	s0 =	sadd.s32 $0x44000, s0;
	[dreg:$0x9] =	wrdreg s14;
	(pc) =	sbr.rel @!p1 .LBB2_3-.Ltmp0, $4  }
0x14: {  	s26 =	sadd.s32 $0x1840, s7;
	s7 =	simm.s32 $0xB;
	[dreg:$0xa] =	wrdreg s0  }
0x15: {  	s13 =	simm.s32 $0xC400;
	s10 =	simm.s32 $0x10400;
	s14 =	simm.s32 $0x6  }
0x16: {  	s1 =	sadd.s32 $0xFFFFFFFF, s15;
	s15 =	simm.s32 $0x7;
	s12 =	simm.s32 $0x8  }
0x17: {  	s11 =	simm.s32 $0x9;
	s9 =	simm.s32 $0xA;
	s0 =	rddreg [dreg:$0xb]  }
0x18: {  	[tilespmem:s2], [sflag:$0xD] =	stream.linear.gather [hbm4b:s0+s2], $0x180, $0x38;
	[tilespmem:$0x18400] =	vst v63  }
0x19: {  	_ = 	snop  }
0x1a: {  	[tilespmem:s23], [sflag:$0xD] =	stream.linear.gather [hbm4b:s26+s2], $0x180, $0x38;
	[tilespmem:$0x18400] =	vst v63  }
0x1b: {  	_ =	swait.ge [sflag:s25], $0x300  }
0x1c: {  	[sflag:s25] =	ssyncset.done $0x0  }
0x1d: {  	[sflag:s25] =	ssyncadd.s32 $0xFFFFFD00  }
0x1e: {  	[tilespmem:s20], [sflag:$0x1] =	stream.indirect.gather [hbm4b:s3+s22], $0x80, s2, s22, $0xb8;
	[tilespmem:$0x18400] =	vst v63  }
0x1f: {  	_ = 	snop  }
0x20: {  	[tilespmem:s18], [sflag:$0x2] =	stream.indirect.gather [hbm4b:s3+s22], $0x80, s23, s22, $0xb8;
	[tilespmem:$0x18400] =	vst v63  }
0x21: {  	_ = 	snop  }
0x22: {  	[tilespmem:s16], [sflag:$0x3] =	stream.indirect.gather [hbm4b:s4+s22], $0x80, s22, s22, $0xb8;
	[tilespmem:$0x18400] =	vst v63  }
0x23: {  	_ = 	snop  }
0x24: {  	[tilespmem:s13], [sflag:$0x4] =	stream.indirect.gather [hbm4b:s4+s22], $0x80, s28, s22, $0xb8;
	[tilespmem:$0x18400] =	vst v63  }
0x25: {  	_ = 	snop  }
0x26: {  	[tilespmem:s10], [sflag:$0x5] =	stream.indirect.gather [hbm4b:s5+s22], $0x80, s30, s22, $0xb8;
	[tilespmem:$0x18400] =	vst v63  }
0x27: {  	_ = 	snop  }
0x28: {  	[tilespmem:s8], [sflag:$0x6] =	stream.indirect.gather [hbm4b:s5+s22], $0x80, s31, s22, $0xb8;
	[tilespmem:$0x18400] =	vst v63  }
0x29: {  	_ =	swait.ge [sflag:s29], $0x4000  }
0x2a: {  	[sflag:s29] =	ssyncset.done $0x0  }
0x2b: {  	s0 =	rddreg [dreg:$0x5];
	[sflag:s29] =	ssyncadd.s32 $0xFFFFC000  }
0x2c: {  	[hbm4b:s0+s2] =	stream.linear.scatter [tilespmem:s20], [sflag:$0x7], $0x4000, $0x38;
	[tilespmem:$0x18400] =	vst v63  }
0x2d: {  	_ =	swait.ge [sflag:s24], $0x4000  }
0x2e: {  	[sflag:s24] =	ssyncset.done $0x0  }
0x2f: {  	s0 =	rddreg [dreg:$0x6];
	[sflag:s24] =	ssyncadd.s32 $0xFFFFC000  }
0x30: {  	[hbm4b:s0+s2] =	stream.linear.scatter [tilespmem:s18], [sflag:$0x8], $0x4000, $0x38;
	[tilespmem:$0x18400] =	vst v63  }
0x31: {  	_ =	swait.ge [sflag:s21], $0x4000  }
0x32: {  	[sflag:s21] =	ssyncset.done $0x0  }
0x33: {  	s0 =	rddreg [dreg:$0x7];
	[sflag:s21] =	ssyncadd.s32 $0xFFFFC000  }
0x34: {  	[hbm4b:s0+s2] =	stream.linear.scatter [tilespmem:s16], [sflag:$0x9], $0x4000, $0x38;
	[tilespmem:$0x18400] =	vst v63  }
0x35: {  	_ =	swait.ge [sflag:s19], $0x4000  }
0x36: {  	[sflag:s19] =	ssyncset.done $0x0  }
0x37: {  	s0 =	rddreg [dreg:$0x8];
	[sflag:s19] =	ssyncadd.s32 $0xFFFFC000  }
0x38: {  	[hbm4b:s0+s2] =	stream.linear.scatter [tilespmem:s13], [sflag:$0xA], $0x4000, $0x38;
	[tilespmem:$0x18400] =	vst v63  }
0x39: {  	_ =	swait.ge [sflag:s17], $0x4000  }
0x3a: {  	[sflag:s17] =	ssyncset.done $0x0  }
0x3b: {  	s0 =	rddreg [dreg:$0x9];
	[sflag:s17] =	ssyncadd.s32 $0xFFFFC000  }
0x3c: {  	[hbm4b:s0+s2] =	stream.linear.scatter [tilespmem:s10], [sflag:$0xB], $0x4000, $0x38;
	[tilespmem:$0x18400] =	vst v63  }
0x3d: {  	_ =	swait.ge [sflag:s14], $0x4000  }
0x3e: {  	[sflag:s14] =	ssyncset.done $0x0  }
0x3f: {  	s0 =	rddreg [dreg:$0xa];
	[sflag:s14] =	ssyncadd.s32 $0xFFFFC000  }
0x40: {  	[hbm4b:s0+s2] =	stream.linear.scatter [tilespmem:s8], [sflag:$0xC], $0x4000, $0x38;
	[tilespmem:$0x18400] =	vst v63  }
0x41: {  	_ =	swait.ge [sflag:s15], $0x4000  }
0x42: {  	[sflag:s15] =	ssyncset.done $0x0  }
0x43: {  	[sflag:s15] =	ssyncadd.s32 $0xFFFFC000  }
0x44: {  	_ =	swait.ge [sflag:s12], $0x4000  }
0x45: {  	[sflag:s12] =	ssyncset.done $0x0  }
0x46: {  	[sflag:s12] =	ssyncadd.s32 $0xFFFFC000  }
0x47: {  	_ =	swait.ge [sflag:s11], $0x4000  }
0x48: {  	[sflag:s11] =	ssyncset.done $0x0  }
0x49: {  	[sflag:s11] =	ssyncadd.s32 $0xFFFFC000  }
0x4a: {  	_ =	swait.ge [sflag:s9], $0x4000  }
0x4b: {  	[sflag:s9] =	ssyncset.done $0x0  }
0x4c: {  	p1 =	sne.s32 s1, $0x1;
	[sflag:s9] =	ssyncadd.s32 $0xFFFFC000  }
.Ltmp1:
0x4d: {  	_ =	swait.ge [sflag:s7], $0x4000;
	(pc) =	sbr.rel @!p1 .LBB2_3-.Ltmp1, $4  }
0x4e: {  	[sflag:s7] =	ssyncset.done $0x0  }
0x4f: {  	[sflag:s7] =	ssyncadd.s32 $0xFFFFC000  }
0x50: {  	s1 =	sadd.s32 $0xFFFFFFFF, s1;
	_ =	swait.ge [sflag:s6], $0x4000  }
0x51: {  	p0 =	por $0x1, $0x1;
	s0 =	rddreg [dreg:$0xb];
	[sflag:s6] =	ssyncset.done $0x0  }
.LBB2_2:
0x52: {  	[sflag:s6] =	ssyncadd.s32 $0xFFFFC000  }
0x53: {  	[tilespmem:s2], [sflag:$0xD] =	stream.linear.gather [hbm4b:s0+s2], $0x180, $0x38;
	[tilespmem:$0x18400] =	vst v63  }
0x54: {  	_ = 	snop  }
0x55: {  	[tilespmem:s23], [sflag:$0xD] =	stream.linear.gather [hbm4b:s26+s2], $0x180, $0x38;
	[tilespmem:$0x18400] =	vst v63  }
0x56: {  	_ =	swait.ge [sflag:s25], $0x300  }
0x57: {  	[sflag:s25] =	ssyncset.done $0x0  }
0x58: {  	[sflag:s25] =	ssyncadd.s32 $0xFFFFFD00  }
0x59: {  	[tilespmem:s20], [sflag:$0x1] =	stream.indirect.gather [hbm4b:s3+s22], $0x80, s2, s22, $0xb8;
	[tilespmem:$0x18400] =	vst v63  }
0x5a: {  	_ = 	snop  }
0x5b: {  	[tilespmem:s18], [sflag:$0x2] =	stream.indirect.gather [hbm4b:s3+s22], $0x80, s23, s22, $0xb8;
	[tilespmem:$0x18400] =	vst v63  }
0x5c: {  	_ = 	snop  }
0x5d: {  	[tilespmem:s16], [sflag:$0x3] =	stream.indirect.gather [hbm4b:s4+s22], $0x80, s22, s22, $0xb8;
	[tilespmem:$0x18400] =	vst v63  }
0x5e: {  	_ = 	snop  }
0x5f: {  	[tilespmem:s13], [sflag:$0x4] =	stream.indirect.gather [hbm4b:s4+s22], $0x80, s28, s22, $0xb8;
	[tilespmem:$0x18400] =	vst v63  }
0x60: {  	_ = 	snop  }
0x61: {  	[tilespmem:s10], [sflag:$0x5] =	stream.indirect.gather [hbm4b:s5+s22], $0x80, s30, s22, $0xb8;
	[tilespmem:$0x18400] =	vst v63  }
0x62: {  	_ = 	snop  }
0x63: {  	[tilespmem:s8], [sflag:$0x6] =	stream.indirect.gather [hbm4b:s5+s22], $0x80, s31, s22, $0xb8;
	[tilespmem:$0x18400] =	vst v63  }
0x64: {  	_ =	swait.ge [sflag:s29], $0x4000  }
0x65: {  	[sflag:s29] =	ssyncset.done $0x0  }
0x66: {  	s0 =	rddreg [dreg:$0x5];
	[sflag:s29] =	ssyncadd.s32 $0xFFFFC000  }
0x67: {  	[hbm4b:s0+s2] =	stream.linear.scatter [tilespmem:s20], [sflag:$0x7], $0x4000, $0x38;
	[tilespmem:$0x18400] =	vst v63  }
0x68: {  	_ =	swait.ge [sflag:s24], $0x4000  }
0x69: {  	[sflag:s24] =	ssyncset.done $0x0  }
0x6a: {  	s0 =	rddreg [dreg:$0x6];
	[sflag:s24] =	ssyncadd.s32 $0xFFFFC000  }
0x6b: {  	[hbm4b:s0+s2] =	stream.linear.scatter [tilespmem:s18], [sflag:$0x8], $0x4000, $0x38;
	[tilespmem:$0x18400] =	vst v63  }
0x6c: {  	_ =	swait.ge [sflag:s21], $0x4000  }
0x6d: {  	[sflag:s21] =	ssyncset.done $0x0  }
0x6e: {  	s0 =	rddreg [dreg:$0x7];
	[sflag:s21] =	ssyncadd.s32 $0xFFFFC000  }
0x6f: {  	[hbm4b:s0+s2] =	stream.linear.scatter [tilespmem:s16], [sflag:$0x9], $0x4000, $0x38;
	[tilespmem:$0x18400] =	vst v63  }
0x70: {  	_ =	swait.ge [sflag:s19], $0x4000  }
0x71: {  	[sflag:s19] =	ssyncset.done $0x0  }
0x72: {  	s0 =	rddreg [dreg:$0x8];
	[sflag:s19] =	ssyncadd.s32 $0xFFFFC000  }
0x73: {  	[hbm4b:s0+s2] =	stream.linear.scatter [tilespmem:s13], [sflag:$0xA], $0x4000, $0x38;
	[tilespmem:$0x18400] =	vst v63  }
0x74: {  	_ =	swait.ge [sflag:s17], $0x4000  }
0x75: {  	[sflag:s17] =	ssyncset.done $0x0  }
0x76: {  	s0 =	rddreg [dreg:$0x9];
	[sflag:s17] =	ssyncadd.s32 $0xFFFFC000  }
0x77: {  	[hbm4b:s0+s2] =	stream.linear.scatter [tilespmem:s10], [sflag:$0xB], $0x4000, $0x38;
	[tilespmem:$0x18400] =	vst v63  }
0x78: {  	_ =	swait.ge [sflag:s14], $0x4000  }
0x79: {  	[sflag:s14] =	ssyncset.done $0x0  }
0x7a: {  	s0 =	rddreg [dreg:$0xa];
	[sflag:s14] =	ssyncadd.s32 $0xFFFFC000  }
0x7b: {  	[hbm4b:s0+s2] =	stream.linear.scatter [tilespmem:s8], [sflag:$0xC], $0x4000, $0x38;
	[tilespmem:$0x18400] =	vst v63  }
0x7c: {  	_ =	swait.ge [sflag:s15], $0x4000  }
0x7d: {  	[sflag:s15] =	ssyncset.done $0x0  }
0x7e: {  	[sflag:s15] =	ssyncadd.s32 $0xFFFFC000  }
0x7f: {  	_ =	swait.ge [sflag:s12], $0x4000  }
0x80: {  	[sflag:s12] =	ssyncset.done $0x0  }
0x81: {  	[sflag:s12] =	ssyncadd.s32 $0xFFFFC000  }
0x82: {  	_ =	swait.ge [sflag:s11], $0x4000  }
0x83: {  	[sflag:s11] =	ssyncset.done $0x0  }
0x84: {  	[sflag:s11] =	ssyncadd.s32 $0xFFFFC000  }
0x85: {  	_ =	swait.ge [sflag:s9], $0x4000  }
0x86: {  	[sflag:s9] =	ssyncset.done $0x0  }
0x87: {  	p1 =	sne.s32 s1, $0x1;
	[sflag:s9] =	ssyncadd.s32 $0xFFFFC000  }
.Ltmp2:
0x88: {  	_ =	swait.ge [sflag:s7], $0x4000;
	(pc) =	sbr.rel @p1 .LBB2_2-.Ltmp2, $4  }
0x89: {  	[sflag:s7] =	ssyncset.done $0x0  }
0x8a: {  	[sflag:s7] =	ssyncadd.s32 $0xFFFFC000  }
0x8b: {  	_ =	swait.ge [sflag:s6], $0x4000  }
0x8c: {  	s1 =	sadd.s32 $0xFFFFFFFF, s1;
	s0 =	rddreg [dreg:$0xb];
	[sflag:s6] =	ssyncset.done $0x0  }
.LBB2_3:
0x8d: {  	[sflag:s6] =	ssyncadd.s32 @p0 $0xFFFFC000  }
0x8e: {  	[tilespmem:s2], [sflag:$0xD] =	stream.linear.gather [hbm4b:s0+s2], $0x180, $0x38;
	[tilespmem:$0x18400] =	vst v63  }
0x8f: {  	_ = 	snop  }
0x90: {  	[tilespmem:s23], [sflag:$0xD] =	stream.linear.gather [hbm4b:s26+s2], $0x180, $0x38;
	[tilespmem:$0x18400] =	vst v63  }
0x91: {  	_ =	swait.ge [sflag:s25], $0x300  }
0x92: {  	[sflag:s25] =	ssyncset.done $0x0  }
0x93: {  	[sflag:s25] =	ssyncadd.s32 $0xFFFFFD00  }
0x94: {  	[tilespmem:s20], [sflag:$0x1] =	stream.indirect.gather [hbm4b:s3+s22], $0x80, s2, s22, $0xb8;
	[tilespmem:$0x18400] =	vst v63  }
0x95: {  	_ = 	snop  }
0x96: {  	[tilespmem:s18], [sflag:$0x2] =	stream.indirect.gather [hbm4b:s3+s22], $0x80, s23, s22, $0xb8;
	[tilespmem:$0x18400] =	vst v63  }
0x97: {  	_ = 	snop  }
0x98: {  	[tilespmem:s16], [sflag:$0x3] =	stream.indirect.gather [hbm4b:s4+s22], $0x80, s22, s22, $0xb8;
	[tilespmem:$0x18400] =	vst v63  }
0x99: {  	_ = 	snop  }
0x9a: {  	[tilespmem:s13], [sflag:$0x4] =	stream.indirect.gather [hbm4b:s4+s22], $0x80, s28, s22, $0xb8;
	[tilespmem:$0x18400] =	vst v63  }
0x9b: {  	_ = 	snop  }
0x9c: {  	[tilespmem:s10], [sflag:$0x5] =	stream.indirect.gather [hbm4b:s5+s22], $0x80, s30, s22, $0xb8;
	[tilespmem:$0x18400] =	vst v63  }
0x9d: {  	_ = 	snop  }
0x9e: {  	[tilespmem:s8], [sflag:$0x6] =	stream.indirect.gather [hbm4b:s5+s22], $0x80, s31, s22, $0xb8;
	[tilespmem:$0x18400] =	vst v63  }
0x9f: {  	_ =	swait.ge [sflag:s29], $0x4000  }
0xa0: {  	[sflag:s29] =	ssyncset.done $0x0  }
0xa1: {  	s23 =	rddreg [dreg:$0x5];
	[sflag:s29] =	ssyncadd.s32 $0xFFFFC000  }
0xa2: {  	[hbm4b:s23+s2] =	stream.linear.scatter [tilespmem:s20], [sflag:$0x7], $0x4000, $0x38;
	[tilespmem:$0x18400] =	vst v63  }
0xa3: {  	_ =	swait.ge [sflag:s24], $0x4000  }
0xa4: {  	[sflag:s24] =	ssyncset.done $0x0  }
0xa5: {  	s25 =	rddreg [dreg:$0x6];
	[sflag:s24] =	ssyncadd.s32 $0xFFFFC000  }
0xa6: {  	[hbm4b:s25+s2] =	stream.linear.scatter [tilespmem:s18], [sflag:$0x8], $0x4000, $0x38;
	[tilespmem:$0x18400] =	vst v63  }
0xa7: {  	_ =	swait.ge [sflag:s21], $0x4000  }
0xa8: {  	[sflag:s21] =	ssyncset.done $0x0  }
0xa9: {  	s26 =	rddreg [dreg:$0x7];
	[sflag:s21] =	ssyncadd.s32 $0xFFFFC000  }
0xaa: {  	[hbm4b:s26+s2] =	stream.linear.scatter [tilespmem:s16], [sflag:$0x9], $0x4000, $0x38;
	[tilespmem:$0x18400] =	vst v63  }
0xab: {  	_ =	swait.ge [sflag:s19], $0x4000  }
0xac: {  	[sflag:s19] =	ssyncset.done $0x0  }
0xad: {  	s28 =	rddreg [dreg:$0x8];
	[sflag:s19] =	ssyncadd.s32 $0xFFFFC000  }
0xae: {  	[hbm4b:s28+s2] =	stream.linear.scatter [tilespmem:s13], [sflag:$0xA], $0x4000, $0x38;
	[tilespmem:$0x18400] =	vst v63  }
0xaf: {  	_ =	swait.ge [sflag:s17], $0x4000  }
0xb0: {  	[sflag:s17] =	ssyncset.done $0x0  }
0xb1: {  	s29 =	rddreg [dreg:$0x9];
	[sflag:s17] =	ssyncadd.s32 $0xFFFFC000  }
0xb2: {  	[hbm4b:s29+s2] =	stream.linear.scatter [tilespmem:s10], [sflag:$0xB], $0x4000, $0x38;
	[tilespmem:$0x18400] =	vst v63  }
0xb3: {  	_ =	swait.ge [sflag:s14], $0x4000  }
0xb4: {  	[sflag:s14] =	ssyncset.done $0x0  }
0xb5: {  	s30 =	rddreg [dreg:$0xa];
	[sflag:s14] =	ssyncadd.s32 $0xFFFFC000  }
0xb6: {  	[hbm4b:s30+s2] =	stream.linear.scatter [tilespmem:s8], [sflag:$0xC], $0x4000, $0x38;
	[tilespmem:$0x18400] =	vst v63  }
0xb7: {  	_ =	swait.ge [sflag:s15], $0x4000  }
0xb8: {  	[sflag:s15] =	ssyncset.done $0x0  }
0xb9: {  	[sflag:s15] =	ssyncadd.s32 $0xFFFFC000  }
0xba: {  	_ =	swait.ge [sflag:s12], $0x4000  }
0xbb: {  	[sflag:s12] =	ssyncset.done $0x0  }
0xbc: {  	[sflag:s12] =	ssyncadd.s32 $0xFFFFC000  }
0xbd: {  	_ =	swait.ge [sflag:s11], $0x4000  }
0xbe: {  	[sflag:s11] =	ssyncset.done $0x0  }
0xbf: {  	[sflag:s11] =	ssyncadd.s32 $0xFFFFC000  }
0xc0: {  	_ =	swait.ge [sflag:s9], $0x4000  }
0xc1: {  	[sflag:s9] =	ssyncset.done $0x0  }
0xc2: {  	[sflag:s9] =	ssyncadd.s32 $0xFFFFC000  }
0xc3: {  	_ =	swait.ge [sflag:s7], $0x4000  }
0xc4: {  	[sflag:s7] =	ssyncset.done $0x0  }
0xc5: {  	[sflag:s7] =	ssyncadd.s32 $0xFFFFC000  }
0xc6: {  	_ =	swait.ge [sflag:s6], $0x4000  }
0xc7: {  	[sflag:s6] =	ssyncset.done $0x0  }
0xc8: {  	[sflag:s6] =	ssyncadd.s32 $0xFFFFC000  }
0xc9: {  	_ =	sfence.sel $0x180000  }
0xca: {  	[bflag:$0x0] =	sbarrier.arrive $0xFFFF  }
0xcb: {  	_ =	strace $0x90000047  }
0xcc: {  	s31 =	stileid.u32;
	[bflag:$0x2] =	sbarrier.arrive $0xFFFF  }
0xcd: {  	p0 =	sne.s32 s31, $0x0;
	s0 =	rddreg [dreg:$0x4]  }
0xce: {  	s0 =	sadd.s32 @!p0 $0x100000, s0  }
0xcf: {  	[sflag:s0] =	ssyncadd.tile.s32 @!p0 $0x1;
	_ =	shalt  }
.Lfunc_end2:
_tile_overlayer_lowered:
.L_overlay_start_2:
0xd0: {  	(tag) =	ssettag $0x2  }
0xd1: {  	s0 =	rddreg [dreg:$0x0];
	s2 =	stileid.u32  }
0xd2: {  	s1 =	rddreg [dreg:$0x1];
	p0 =	sne.s32 s2, $0x0  }
0xd3: {  	s3 =	rddreg [dreg:$0x2];
	[bflag:$0x3] =	sbarrier.arrive $0xFFFF;
	s2 =	simm.s32 @!p0 $0x1C0D  }
0xd4: {  	[timem:s3], [sflag:s2] =	dma.local @!p0 [hbm:s0], s1  }
0xd5: {  	s0 =	simm.s32 @!p0 $0xD  }
0xd6: {  	_ =	swait.ge @!p0 [sflag:s0], s1  }
0xd7: {  	s1 =	ssub.s32 @!p0 $0x0, s1;
	[sflag:s0] =	ssyncset.done @!p0 $0x0  }
0xd8: {  	[sflag:s0] =	ssyncadd.s32 @!p0 s1  }
0xd9: {  	[bflag:$0x3] =	sbarrier.arrive $0xFFFF  }
0xda: {  	_ =	shalt  }

// kernel: kernel.9.cloned.1.call-start
scs
__scs_entry_jumppad:
0x0: {  	(pc) =	sbr.rel $0x88, $3  }
0x1: {  	(tag) =	ssettag $0x0;
	lr =	simm.s32 $0x1  }
0x2: {  	[smem:$0x3F96] =	sst lr;
	_ =	strace $0xD0000000  }
0x3: {  	_ = 	snop  }
0x4: {  	_ = 	snop  }
0x5: {  	_ = 	snop  }
0x6: {  	_ = 	snop  }
0x7: {  	_ = 	snop  }
__scs_overlays_trampoline_lowered:
0x8: {  	[smem:$0x3FA5] =	sst s0  }
0x9: {  	[smem:$0x3FA6] =	sst s1  }
0xa: {  	[smem:$0x3FA7] =	sst s2  }
0xb: {  	[smem:$0x3FA8] =	sst s3  }
0xc: {  	[smem:$0x3FA9] =	sst s4  }
0xd: {  	[smem:$0x3FAA] =	sst s5  }
0xe: {  	[smem:$0x3FAB] =	sst s6  }
0xf: {  	[smem:$0x3FAC] =	sst s7  }
0x10: {  	[smem:$0x3FAD] =	sst s8  }
0x11: {  	[smem:$0x3FAE] =	sst s9;
	s0 =	simm.s32 @!p0 $0x0  }
0x12: {  	s1 =	sld [smem:$0x3F94];
	s0 =	simm.s32 @p0 $0x1  }
0x13: {  	[smem:$0x3FAF] =	sst s0;
	s0 =	simm.s32 @!p1 $0x0  }
0x14: {  	s2 =	sld [smem:$0x3F93];
	s0 =	simm.s32 @p1 $0x1  }
0x15: {  	[smem:$0x3FB0] =	sst s0;
	s0 =	simm.s32 @!p2 $0x0  }
0x16: {  	s3 =	sld [smem:$0x3FDB];
	s0 =	simm.s32 @p2 $0x1  }
0x17: {  	s4 =	simm.s32 $0x1BF5;
	[smem:$0x3FB2] =	sst s0  }
0x18: {  	s0 =	sld [smem:$0x3F95];
	_ =	swait.ge [sflag:s4], $0x0  }
0x19: {  	s7 =	sld [smem:$0x3F96]  }
0x1a: {  	s8 =	sadd.s32 $0xFFFFE003, lr  }
0x1b: {  	s9 =	sadd.s32 $0xFFFFFEF7, lr;
	s5 =	simm.s32 $0xFFFFFFFF;
	p2 =	slt.u32 s8, $0xFFFFF086  }
0x1c: {  	p1 =	slt.u32 s9, $0xF7A;
	s5 =	simm.s32 @!p2 $0x0  }
0x1d: {  	s5 =	simm.s32 @p1 $0x1;
	p0 =	seq.s32 s7, s2  }
0x1e: {  	s7 =	smul.u32 @!p0 $0xF7A, s2;
	p2 =	seq.s32 @!p0 s5, $0x0  }
0x1f: {  	s9 =	smul.u32 $0xF7A, s1;
	s8 =	simm.s32 @!p0 $0x1BF5;
	p2 =	por !p2, p0  }
0x20: {  	[sflag:s8] =	ssyncset.s32 @!p0 $0xFFFFF086;
	s6 =	sadd.s32 @!p0 s3, s7;
	s7 =	simm.s32 @!p0 $0x108  }
0x21: {  	s3 =	sadd.s32 s3, s9;
	s6 =	sadd.s32 @!p0 $0x88, s6;
	s7 =	simm.s32 @p2 $0x1082  }
0x22: {  	[simem:s7], [sflag:s8] =	dma.local @!p0 [hbm:s6], $0xF7A  }
0x23: {  	s9 =	sor.u32 $0xD0000000, s2;
	s6 =	simm.s32 $0x108;
	_ =	swait.ge @!p0 [sflag:s8], $0x0  }
0x24: {  	s3 =	sadd.s32 $0x88, s3;
	s6 =	simm.s32 @!p1 $0x1082;
	[sflag:s4] =	ssyncset.s32 $0xFFFFF086  }
0x25: {  	[simem:s6], [sflag:s4] =	dma.local [hbm:s3], $0xF7A  }
0x26: {  	[smem:$0x3F96] =	sst s1;
	(tag) =	ssettag s2;
	_ =	strace s9  }
0x27: {  	s1 =	sld [smem:$0x3FA6]  }
0x28: {  	s2 =	sld [smem:$0x3FA7]  }
0x29: {  	s4 =	sld [smem:$0x3FA9]  }
0x2a: {  	p0 =	seq.s32 s5, $0x0;
	s5 =	sld [smem:$0x3FAA]  }
0x2b: {  	s6 =	sld [smem:$0x3FAB]  }
0x2c: {  	s7 =	sld [smem:$0x3FAC]  }
0x2d: {  	s3 =	simm.s32 $0x108;
	s8 =	sld [smem:$0x3FAD]  }
0x2e: {  	s3 =	simm.s32 @!p0 $0x1082;
	s9 =	sld [smem:$0x3FAE]  }
0x2f: {  	lr =	sadd.s32 s0, s3;
	s0 =	sld [smem:$0x3FA5]  }
0x30: {  	s3 =	sld [smem:$0x3FA8]  }
0x31: {  	[smem:$0x3FB1] =	sst s10  }
0x32: {  	s10 =	sld [smem:$0x3FAF];
	_ =	sdelay $0x3  }
0x33: {  	p0 =	seq.s32 s10, $0x1;
	s10 =	sld [smem:$0x3FB1];
	_ =	sdelay $0x3  }
0x34: {  	[smem:$0x3FB1] =	sst s10  }
0x35: {  	s10 =	sld [smem:$0x3FB0];
	_ =	sdelay $0x3  }
0x36: {  	p1 =	seq.s32 s10, $0x1;
	s10 =	sld [smem:$0x3FB1];
	_ =	sdelay $0x3  }
0x37: {  	[smem:$0x3FB1] =	sst s10  }
0x38: {  	s10 =	sld [smem:$0x3FB2]  }
0x39: {  	_ = 	snop;
	(pc) =	sbr.ind lr, $3  }
0x3a: {  	_ = 	snop  }
0x3b: {  	_ = 	snop  }
0x3c: {  	p2 =	seq.s32 s10, $0x1;
	s10 =	sld [smem:$0x3FB1]  }
0x3d: {  	_ =	shalt  }
0x3e: {  	_ =	shalt  }
0x3f: {  	_ =	shalt  }
0x40: {  	_ =	shalt  }
0x41: {  	_ =	shalt  }
0x42: {  	_ =	shalt  }
0x43: {  	_ =	shalt  }
0x44: {  	_ =	shalt  }
0x45: {  	_ =	shalt  }
0x46: {  	_ =	shalt  }
0x47: {  	_ =	shalt  }
0x48: {  	_ =	shalt  }
0x49: {  	_ =	shalt  }
0x4a: {  	_ =	shalt  }
0x4b: {  	_ =	shalt  }
0x4c: {  	_ =	shalt  }
0x4d: {  	_ =	shalt  }
0x4e: {  	_ =	shalt  }
0x4f: {  	_ =	shalt  }
0x50: {  	_ =	shalt  }
0x51: {  	_ =	shalt  }
0x52: {  	_ =	shalt  }
0x53: {  	_ =	shalt  }
0x54: {  	_ =	shalt  }
0x55: {  	_ =	shalt  }
0x56: {  	_ =	shalt  }
0x57: {  	_ =	shalt  }
0x58: {  	_ =	shalt  }
0x59: {  	_ =	shalt  }
0x5a: {  	_ =	shalt  }
0x5b: {  	_ =	shalt  }
0x5c: {  	_ =	shalt  }
0x5d: {  	_ =	shalt  }
0x5e: {  	_ =	shalt  }
0x5f: {  	_ =	shalt  }
0x60: {  	_ =	shalt  }
0x61: {  	_ =	shalt  }
0x62: {  	_ =	shalt  }
0x63: {  	_ =	shalt  }
0x64: {  	_ =	shalt  }
0x65: {  	_ =	shalt  }
0x66: {  	_ =	shalt  }
0x67: {  	_ =	shalt  }
0x68: {  	_ =	shalt  }
0x69: {  	_ =	shalt  }
0x6a: {  	_ =	shalt  }
0x6b: {  	_ =	shalt  }
0x6c: {  	_ =	shalt  }
0x6d: {  	_ =	shalt  }
0x6e: {  	_ =	shalt  }
0x6f: {  	_ =	shalt  }
0x70: {  	_ =	shalt  }
0x71: {  	_ =	shalt  }
0x72: {  	_ =	shalt  }
0x73: {  	_ =	shalt  }
0x74: {  	_ =	shalt  }
0x75: {  	_ =	shalt  }
0x76: {  	_ =	shalt  }
0x77: {  	_ =	shalt  }
0x78: {  	_ =	shalt  }
0x79: {  	_ =	shalt  }
0x7a: {  	_ =	shalt  }
0x7b: {  	_ =	shalt  }
0x7c: {  	_ =	shalt  }
0x7d: {  	_ =	shalt  }
0x7e: {  	_ =	shalt  }
0x7f: {  	_ =	shalt  }
0x80: {  	_ =	shalt  }
0x81: {  	_ =	shalt  }
0x82: {  	_ =	shalt  }
0x83: {  	_ =	shalt  }
0x84: {  	_ =	shalt  }
0x85: {  	_ =	shalt  }
0x86: {  	_ =	shalt  }
0x87: {  	_ =	shalt  }
.Lfunc_end0:
.L_simem_size_0:
called_computation.1_lowered:
.L_overlay_start_0:
0x88: {  	s2 =	sld [smem:$0x3FD9]  }
0x89: {  	s3 =	sld [smem:$0x3FFE];
	_ =	sdelay $0x1  }
0x8a: {  	s1 =	srdreg.scid  }
0x8b: {  	s0 =	sand.u32 $0x1, s1  }
0x8c: {  	s17 =	sshll.u32 s0, $0xA;
	s2 =	sadd.s32 s3, s2  }
0x8d: {  	s2 =	sadd.s32 s2, s17  }
0x8e: {  	[smem:$0x3FBD] =	sst s2  }
0x8f: {  	_ = 	snop  }
0x90: {  	s18 =	sld [smem:$0x3FC7]  }
0x91: {  	s4 =	sld [smem:$0x3FC6]  }
0x92: {  	s5 =	sld [smem:$0x3FC5];
	(tm) =	ssettm $0x1  }
0x93: {  	s19 =	sld [smem:$0x3FFB];
	_ =	sdelay $0x3  }
0x94: {  	_ =	strace s19  }
0x95: {  	s2 =	sld [smem:$0x3FFC];
	_ =	sdelay $0x3  }
0x96: {  	_ =	strace s2  }
0x97: {  	s2 =	sld [smem:$0x3FFD];
	_ =	sdelay $0x3  }
0x98: {  	_ =	strace s2  }
0x99: {  	_ =	strace $0x8FFFFFFF  }
0x9a: {  	s20 =	sld [smem:$0x3FDB];
	_ =	sdelay $0x1  }
0x9b: {  	s6 =	simm.s32 $_scs_section_size  }
0x9c: {  	s7 =	simm.s32 $_size__tile_overlayer_lowered;
	s8 =	simm.s32 $_tile_overlayer_lowered  }
0x9d: {  	s9 =	simm.s32 $0x1BFF;
	s21 =	sshll.u32 s8, $0x1;
	s6 =	sadd.s32 s6, s20  }
0x9e: {  	s22 =	simm.s32 $0x0;
	s7 =	sshll.u32 s7, $0x1;
	s8 =	sadd.s32 s21, s6  }
0x9f: {  	[timem:s22], [sflag:s9] =	dma.local [hbm:s8], s7  }
0xa0: {  	_ =	swait.ge [sflag:s9], s7  }
0xa1: {  	s7 =	ssub.s32 $0x0, s7;
	[sflag:s9] =	ssyncset.done $0x0  }
0xa2: {  	[sflag:s9] =	ssyncadd.s32 s7;
	_ =	sdelay $0x1  }
0xa3: {  	s23 =	simm.s32 $0x1B8B  }
0xa4: {  	_ =	swait.ge [sflag:s23], $0x1  }
0xa5: {  	[sflag:s23] =	ssyncset.done $0x0  }
0xa6: {  	[sflag:s23] =	ssyncadd.s32 $0xFFFFFFFF  }
0xa7: {  	s7 =	sld [smem:$0x0]  }
0xa8: {  	s8 =	sand.u32 $0xFFFFFFFE, s1  }
0xa9: {  	p0 =	sne.s32 s1, s8  }
0xaa: {  	s8 =	sshll.u32 @p0 s8, $0xE  }
0xab: {  	s8 =	sadd.s32 @p0 $0x11B8D, s8;
	s9 =	sshll.u32 @p0 s7, $0x11  }
0xac: {  	s8 =	sor.u32 @p0 s9, s8  }
0xad: {  	[sflag:s8] =	ssyncadd.remote.s32 @p0 $0x1;
	_ =	sdelay $0x1  }
0xae: {  	s8 =	simm.s32 @p0 $0x1B8D  }
0xaf: {  	_ =	swait.eq @p0 [sflag:s8], $0x1  }
0xb0: {  	[sflag:s8] =	ssyncadd.s32 @p0 $0xFFFFFFFF  }
0xb1: {  	s9 =	sshll.u32 @!p0 s1, $0xE  }
0xb2: {  	s9 =	sor.u32 @!p0 $0x4000, s9;
	s8 =	simm.s32 @!p0 $0x1B8D  }
0xb3: {  	s7 =	sshll.u32 @!p0 s7, $0x11;
	s9 =	sadd.s32 @!p0 $0x11B8D, s9;
	_ =	swait.eq @!p0 [sflag:s8], $0x1  }
0xb4: {  	s7 =	sor.u32 @!p0 s7, s9;
	[sflag:s8] =	ssyncadd.s32 @!p0 $0xFFFFFFFF  }
0xb5: {  	s25 =	simm.s32 $0x1B8E;
	s24 =	sld [smem:$0x3FFE];
	[sflag:s7] =	ssyncadd.remote.s32 @!p0 $0x1  }
0xb6: {  	s26 =	simm.s32 $execute0_lowered;
	[smem:$0x3FD2] =	sst s25  }
0xb7: {  	s8 =	sshll.u32 s26, $0x1;
	_ =	strace $0x80000049;
	[dreg:$0x1] =	wrdreg $0xFFFFFFFF  }
0xb8: {  	s28 =	simm.s32 $_size_execute0_lowered;
	s6 =	sadd.s32 s6, s8;
	[dreg:$0x0] =	wrdreg $0x0  }
0xb9: {  	s8 =	sshll.u32 s28, $0x1;
	[dreg:$0x2] =	wrdreg s6  }
0xba: {  	[dreg:$0x3] =	wrdreg s8  }
0xbb: {  	[dreg:$0x4] =	wrdreg $0xC0  }
0xbc: {  	_ =	task [dreg:s22], $0x5FFFF  }
0xbd: {  	[dreg:$0x1] =	wrdreg $0xFFFFFFFF  }
0xbe: {  	[dreg:$0x0] =	wrdreg $0x60  }
0xbf: {  	[dreg:$0x2] =	wrdreg s24  }
0xc0: {  	[dreg:$0x3] =	wrdreg s18  }
0xc1: {  	[dreg:$0x4] =	wrdreg s4  }
0xc2: {  	[dreg:$0x5] =	wrdreg s5  }
0xc3: {  	[dreg:$0x6] =	wrdreg $0xA  }
0xc4: {  	_ =	task.clear_ibuf [dreg:s22], $0x7FFFF;
	_ =	strace $0x90000049  }
0xc5: {  	s29 =	simm.s32 $0xA;
	_ =	strace $0x8000004B  }
0xc6: {  	_ =	swait.ge [sflag:s29], $0x1  }
0xc7: {  	[sflag:s29] =	ssyncadd.s32 $0xFFFFFFFF  }
0xc8: {  	_ =	strace $0x9000004B  }
0xc9: {  	_ =	sfence  }
0xca: {  	s30 =	sld [smem:$0x0];
	_ =	sdelay $0x2  }
0xcb: {  	s31 =	sshll.u32 s1, $0xD;
	s1 =	sshrl.u32 s1, $0x2  }
0xcc: {  	s4 =	sand.u32 $0x4000, s31;
	s1 =	sadd.s32 s1, s30  }
0xcd: {  	s0 =	sor.u32 s4, s0;
	s1 =	sshll.u32 s1, $0x11  }
0xce: {  	s0 =	sor.u32 s1, s0  }
0xcf: {  	s0 =	sadd.s32 $0x8F2B, s0  }
0xd0: {  	[sflag:s0] =	ssyncadd.remote.s32 $0x1  }
0xd1: {  	_ =	sfence.sel $0xFFFF  }
0xd2: {  	[dreg:$0x0] =	wrdreg $0xFFFFFFFF;
	(pc) =	sbr.abs _section_cstart, $3  }
0xd3: {  	[dreg:$0x1] =	wrdreg $0xFFFFFFFF  }
0xd4: {  	_ =	task.clear_ibuf [dreg:s22], $0x2FFFF;
	_ =	strace $0x9FFFFFFF  }
0xd5: {  	(tm) =	ssettm $0x7FFFFFFF  }
tec
execute0_lowered:
.L_overlay_start_1:
0x0: {  	(tag) =	ssettag $0x1  }
0x1: {  	s0 =	rddreg [dreg:$0x0]  }
0x2: {  	s3 =	rddreg [dreg:$0x1]  }
0x3: {  	s1 =	srdreg.scid;
	s4 =	rddreg [dreg:$0x2]  }
0x4: {  	s2 =	stileid.u32;
	s5 =	rddreg [dreg:$0x3];
	s23 =	simm.s32 $0x200  }
0x5: {  	s25 =	simm.s32 $0xD;
	s22 =	simm.s32 $0x80;
	s20 =	simm.s32 $0x400  }
0x6: {  	s18 =	simm.s32 $0x4400;
	s16 =	simm.s32 $0x8400;
	s28 =	simm.s32 $0x280  }
0x7: {  	s30 =	simm.s32 $0x100;
	s31 =	simm.s32 $0x300;
	s29 =	simm.s32 $0x1  }
0x8: {  	s24 =	simm.s32 $0x2;
	s21 =	simm.s32 $0x3;
	s19 =	simm.s32 $0x4  }
0x9: {  	s17 =	simm.s32 $0x5;
	s1 =	sand.u32 $0x1, s1;
	s2 =	sshll.u32 s2, $0x1  }
0xa: {  	p0 =	por $0x0, $0x0;
	s6 =	sor.u32 s1, s2;
	s2 =	simm.s32 $0x0  }
0xb: {  	s1 =	ssub.s32 $0x2, s1;
	s7 =	sshll.u32 s6, $0x7;
	[smem:$0x7FF] =	sst s2  }
0xc: {  	s6 =	sshll.u32 s6, $0xC;
	s8 =	sshrl.u32 s1, $0x1;
	s7 =	sadd.s32 s7, s0  }
0xd: {  	_ =	strace $0x8000004A;
	s0 =	sadd.s32 s6, s0;
	s9 =	sadd.s32 $0x2800, s7  }
0xe: {  	s1 =	ssub.s32 s1, s8;
	s10 =	sadd.s32 $0x63800, s0;
	[dreg:$0xb] =	wrdreg s9  }
0xf: {  	s8 =	simm.s32 $0x14400;
	s11 =	sadd.s32 $0x64000, s0;
	[dreg:$0x5] =	wrdreg s10  }
0x10: {  	s6 =	simm.s32 $0xC;
	s12 =	sadd.s32 $0x83800, s0;
	[dreg:$0x6] =	wrdreg s11  }
0x11: {  	s13 =	sadd.s32 $0x84000, s0;
	s15 =	smax.u32 s1, $0x1;
	[dreg:$0x7] =	wrdreg s12  }
0x12: {  	s14 =	sadd.s32 $0xA3800, s0;
	[dreg:$0x8] =	wrdreg s13;
	p1 =	sne.s32 s15, $0x1  }
.Ltmp0:
0x13: {  	s0 =	sadd.s32 $0xA4000, s0;
	[dreg:$0x9] =	wrdreg s14;
	(pc) =	sbr.rel @!p1 .LBB2_3-.Ltmp0, $4  }
0x14: {  	s26 =	sadd.s32 $0x2840, s7;
	s7 =	simm.s32 $0xB;
	[dreg:$0xa] =	wrdreg s0  }
0x15: {  	s13 =	simm.s32 $0xC400;
	s10 =	simm.s32 $0x10400;
	s14 =	simm.s32 $0x6  }
0x16: {  	s1 =	sadd.s32 $0xFFFFFFFF, s15;
	s15 =	simm.s32 $0x7;
	s12 =	simm.s32 $0x8  }
0x17: {  	s11 =	simm.s32 $0x9;
	s9 =	simm.s32 $0xA;
	s0 =	rddreg [dreg:$0xb]  }
0x18: {  	[tilespmem:s2], [sflag:$0xD] =	stream.linear.gather [hbm4b:s0+s2], $0x180, $0x38;
	[tilespmem:$0x18400] =	vst v63  }
0x19: {  	_ = 	snop  }
0x1a: {  	[tilespmem:s23], [sflag:$0xD] =	stream.linear.gather [hbm4b:s26+s2], $0x180, $0x38;
	[tilespmem:$0x18400] =	vst v63  }
0x1b: {  	_ =	swait.ge [sflag:s25], $0x300  }
0x1c: {  	[sflag:s25] =	ssyncset.done $0x0  }
0x1d: {  	[sflag:s25] =	ssyncadd.s32 $0xFFFFFD00  }
0x1e: {  	[tilespmem:s20], [sflag:$0x1] =	stream.indirect.gather [hbm4b:s3+s22], $0x80, s2, s22, $0xb8;
	[tilespmem:$0x18400] =	vst v63  }
0x1f: {  	_ = 	snop  }
0x20: {  	[tilespmem:s18], [sflag:$0x2] =	stream.indirect.gather [hbm4b:s3+s22], $0x80, s23, s22, $0xb8;
	[tilespmem:$0x18400] =	vst v63  }
0x21: {  	_ = 	snop  }
0x22: {  	[tilespmem:s16], [sflag:$0x3] =	stream.indirect.gather [hbm4b:s4+s22], $0x80, s22, s22, $0xb8;
	[tilespmem:$0x18400] =	vst v63  }
0x23: {  	_ = 	snop  }
0x24: {  	[tilespmem:s13], [sflag:$0x4] =	stream.indirect.gather [hbm4b:s4+s22], $0x80, s28, s22, $0xb8;
	[tilespmem:$0x18400] =	vst v63  }
0x25: {  	_ = 	snop  }
0x26: {  	[tilespmem:s10], [sflag:$0x5] =	stream.indirect.gather [hbm4b:s5+s22], $0x80, s30, s22, $0xb8;
	[tilespmem:$0x18400] =	vst v63  }
0x27: {  	_ = 	snop  }
0x28: {  	[tilespmem:s8], [sflag:$0x6] =	stream.indirect.gather [hbm4b:s5+s22], $0x80, s31, s22, $0xb8;
	[tilespmem:$0x18400] =	vst v63  }
0x29: {  	_ =	swait.ge [sflag:s29], $0x4000  }
0x2a: {  	[sflag:s29] =	ssyncset.done $0x0  }
0x2b: {  	s0 =	rddreg [dreg:$0x5];
	[sflag:s29] =	ssyncadd.s32 $0xFFFFC000  }
0x2c: {  	[hbm4b:s0+s2] =	stream.linear.scatter [tilespmem:s20], [sflag:$0x7], $0x4000, $0x38;
	[tilespmem:$0x18400] =	vst v63  }
0x2d: {  	_ =	swait.ge [sflag:s24], $0x4000  }
0x2e: {  	[sflag:s24] =	ssyncset.done $0x0  }
0x2f: {  	s0 =	rddreg [dreg:$0x6];
	[sflag:s24] =	ssyncadd.s32 $0xFFFFC000  }
0x30: {  	[hbm4b:s0+s2] =	stream.linear.scatter [tilespmem:s18], [sflag:$0x8], $0x4000, $0x38;
	[tilespmem:$0x18400] =	vst v63  }
0x31: {  	_ =	swait.ge [sflag:s21], $0x4000  }
0x32: {  	[sflag:s21] =	ssyncset.done $0x0  }
0x33: {  	s0 =	rddreg [dreg:$0x7];
	[sflag:s21] =	ssyncadd.s32 $0xFFFFC000  }
0x34: {  	[hbm4b:s0+s2] =	stream.linear.scatter [tilespmem:s16], [sflag:$0x9], $0x4000, $0x38;
	[tilespmem:$0x18400] =	vst v63  }
0x35: {  	_ =	swait.ge [sflag:s19], $0x4000  }
0x36: {  	[sflag:s19] =	ssyncset.done $0x0  }
0x37: {  	s0 =	rddreg [dreg:$0x8];
	[sflag:s19] =	ssyncadd.s32 $0xFFFFC000  }
0x38: {  	[hbm4b:s0+s2] =	stream.linear.scatter [tilespmem:s13], [sflag:$0xA], $0x4000, $0x38;
	[tilespmem:$0x18400] =	vst v63  }
0x39: {  	_ =	swait.ge [sflag:s17], $0x4000  }
0x3a: {  	[sflag:s17] =	ssyncset.done $0x0  }
0x3b: {  	s0 =	rddreg [dreg:$0x9];
	[sflag:s17] =	ssyncadd.s32 $0xFFFFC000  }
0x3c: {  	[hbm4b:s0+s2] =	stream.linear.scatter [tilespmem:s10], [sflag:$0xB], $0x4000, $0x38;
	[tilespmem:$0x18400] =	vst v63  }
0x3d: {  	_ =	swait.ge [sflag:s14], $0x4000  }
0x3e: {  	[sflag:s14] =	ssyncset.done $0x0  }
0x3f: {  	s0 =	rddreg [dreg:$0xa];
	[sflag:s14] =	ssyncadd.s32 $0xFFFFC000  }
0x40: {  	[hbm4b:s0+s2] =	stream.linear.scatter [tilespmem:s8], [sflag:$0xC], $0x4000, $0x38;
	[tilespmem:$0x18400] =	vst v63  }
0x41: {  	_ =	swait.ge [sflag:s15], $0x4000  }
0x42: {  	[sflag:s15] =	ssyncset.done $0x0  }
0x43: {  	[sflag:s15] =	ssyncadd.s32 $0xFFFFC000  }
0x44: {  	_ =	swait.ge [sflag:s12], $0x4000  }
0x45: {  	[sflag:s12] =	ssyncset.done $0x0  }
0x46: {  	[sflag:s12] =	ssyncadd.s32 $0xFFFFC000  }
0x47: {  	_ =	swait.ge [sflag:s11], $0x4000  }
0x48: {  	[sflag:s11] =	ssyncset.done $0x0  }
0x49: {  	[sflag:s11] =	ssyncadd.s32 $0xFFFFC000  }
0x4a: {  	_ =	swait.ge [sflag:s9], $0x4000  }
0x4b: {  	[sflag:s9] =	ssyncset.done $0x0  }
0x4c: {  	p1 =	sne.s32 s1, $0x1;
	[sflag:s9] =	ssyncadd.s32 $0xFFFFC000  }
.Ltmp1:
0x4d: {  	_ =	swait.ge [sflag:s7], $0x4000;
	(pc) =	sbr.rel @!p1 .LBB2_3-.Ltmp1, $4  }
0x4e: {  	[sflag:s7] =	ssyncset.done $0x0  }
0x4f: {  	[sflag:s7] =	ssyncadd.s32 $0xFFFFC000  }
0x50: {  	s1 =	sadd.s32 $0xFFFFFFFF, s1;
	_ =	swait.ge [sflag:s6], $0x4000  }
0x51: {  	p0 =	por $0x1, $0x1;
	s0 =	rddreg [dreg:$0xb];
	[sflag:s6] =	ssyncset.done $0x0  }
.LBB2_2:
0x52: {  	[sflag:s6] =	ssyncadd.s32 $0xFFFFC000  }
0x53: {  	[tilespmem:s2], [sflag:$0xD] =	stream.linear.gather [hbm4b:s0+s2], $0x180, $0x38;
	[tilespmem:$0x18400] =	vst v63  }
0x54: {  	_ = 	snop  }
0x55: {  	[tilespmem:s23], [sflag:$0xD] =	stream.linear.gather [hbm4b:s26+s2], $0x180, $0x38;
	[tilespmem:$0x18400] =	vst v63  }
0x56: {  	_ =	swait.ge [sflag:s25], $0x300  }
0x57: {  	[sflag:s25] =	ssyncset.done $0x0  }
0x58: {  	[sflag:s25] =	ssyncadd.s32 $0xFFFFFD00  }
0x59: {  	[tilespmem:s20], [sflag:$0x1] =	stream.indirect.gather [hbm4b:s3+s22], $0x80, s2, s22, $0xb8;
	[tilespmem:$0x18400] =	vst v63  }
0x5a: {  	_ = 	snop  }
0x5b: {  	[tilespmem:s18], [sflag:$0x2] =	stream.indirect.gather [hbm4b:s3+s22], $0x80, s23, s22, $0xb8;
	[tilespmem:$0x18400] =	vst v63  }
0x5c: {  	_ = 	snop  }
0x5d: {  	[tilespmem:s16], [sflag:$0x3] =	stream.indirect.gather [hbm4b:s4+s22], $0x80, s22, s22, $0xb8;
	[tilespmem:$0x18400] =	vst v63  }
0x5e: {  	_ = 	snop  }
0x5f: {  	[tilespmem:s13], [sflag:$0x4] =	stream.indirect.gather [hbm4b:s4+s22], $0x80, s28, s22, $0xb8;
	[tilespmem:$0x18400] =	vst v63  }
0x60: {  	_ = 	snop  }
0x61: {  	[tilespmem:s10], [sflag:$0x5] =	stream.indirect.gather [hbm4b:s5+s22], $0x80, s30, s22, $0xb8;
	[tilespmem:$0x18400] =	vst v63  }
0x62: {  	_ = 	snop  }
0x63: {  	[tilespmem:s8], [sflag:$0x6] =	stream.indirect.gather [hbm4b:s5+s22], $0x80, s31, s22, $0xb8;
	[tilespmem:$0x18400] =	vst v63  }
0x64: {  	_ =	swait.ge [sflag:s29], $0x4000  }
0x65: {  	[sflag:s29] =	ssyncset.done $0x0  }
0x66: {  	s0 =	rddreg [dreg:$0x5];
	[sflag:s29] =	ssyncadd.s32 $0xFFFFC000  }
0x67: {  	[hbm4b:s0+s2] =	stream.linear.scatter [tilespmem:s20], [sflag:$0x7], $0x4000, $0x38;
	[tilespmem:$0x18400] =	vst v63  }
0x68: {  	_ =	swait.ge [sflag:s24], $0x4000  }
0x69: {  	[sflag:s24] =	ssyncset.done $0x0  }
0x6a: {  	s0 =	rddreg [dreg:$0x6];
	[sflag:s24] =	ssyncadd.s32 $0xFFFFC000  }
0x6b: {  	[hbm4b:s0+s2] =	stream.linear.scatter [tilespmem:s18], [sflag:$0x8], $0x4000, $0x38;
	[tilespmem:$0x18400] =	vst v63  }
0x6c: {  	_ =	swait.ge [sflag:s21], $0x4000  }
0x6d: {  	[sflag:s21] =	ssyncset.done $0x0  }
0x6e: {  	s0 =	rddreg [dreg:$0x7];
	[sflag:s21] =	ssyncadd.s32 $0xFFFFC000  }
0x6f: {  	[hbm4b:s0+s2] =	stream.linear.scatter [tilespmem:s16], [sflag:$0x9], $0x4000, $0x38;
	[tilespmem:$0x18400] =	vst v63  }
0x70: {  	_ =	swait.ge [sflag:s19], $0x4000  }
0x71: {  	[sflag:s19] =	ssyncset.done $0x0  }
0x72: {  	s0 =	rddreg [dreg:$0x8];
	[sflag:s19] =	ssyncadd.s32 $0xFFFFC000  }
0x73: {  	[hbm4b:s0+s2] =	stream.linear.scatter [tilespmem:s13], [sflag:$0xA], $0x4000, $0x38;
	[tilespmem:$0x18400] =	vst v63  }
0x74: {  	_ =	swait.ge [sflag:s17], $0x4000  }
0x75: {  	[sflag:s17] =	ssyncset.done $0x0  }
0x76: {  	s0 =	rddreg [dreg:$0x9];
	[sflag:s17] =	ssyncadd.s32 $0xFFFFC000  }
0x77: {  	[hbm4b:s0+s2] =	stream.linear.scatter [tilespmem:s10], [sflag:$0xB], $0x4000, $0x38;
	[tilespmem:$0x18400] =	vst v63  }
0x78: {  	_ =	swait.ge [sflag:s14], $0x4000  }
0x79: {  	[sflag:s14] =	ssyncset.done $0x0  }
0x7a: {  	s0 =	rddreg [dreg:$0xa];
	[sflag:s14] =	ssyncadd.s32 $0xFFFFC000  }
0x7b: {  	[hbm4b:s0+s2] =	stream.linear.scatter [tilespmem:s8], [sflag:$0xC], $0x4000, $0x38;
	[tilespmem:$0x18400] =	vst v63  }
0x7c: {  	_ =	swait.ge [sflag:s15], $0x4000  }
0x7d: {  	[sflag:s15] =	ssyncset.done $0x0  }
0x7e: {  	[sflag:s15] =	ssyncadd.s32 $0xFFFFC000  }
0x7f: {  	_ =	swait.ge [sflag:s12], $0x4000  }
0x80: {  	[sflag:s12] =	ssyncset.done $0x0  }
0x81: {  	[sflag:s12] =	ssyncadd.s32 $0xFFFFC000  }
0x82: {  	_ =	swait.ge [sflag:s11], $0x4000  }
0x83: {  	[sflag:s11] =	ssyncset.done $0x0  }
0x84: {  	[sflag:s11] =	ssyncadd.s32 $0xFFFFC000  }
0x85: {  	_ =	swait.ge [sflag:s9], $0x4000  }
0x86: {  	[sflag:s9] =	ssyncset.done $0x0  }
0x87: {  	p1 =	sne.s32 s1, $0x1;
	[sflag:s9] =	ssyncadd.s32 $0xFFFFC000  }
.Ltmp2:
0x88: {  	_ =	swait.ge [sflag:s7], $0x4000;
	(pc) =	sbr.rel @p1 .LBB2_2-.Ltmp2, $4  }
0x89: {  	[sflag:s7] =	ssyncset.done $0x0  }
0x8a: {  	[sflag:s7] =	ssyncadd.s32 $0xFFFFC000  }
0x8b: {  	_ =	swait.ge [sflag:s6], $0x4000  }
0x8c: {  	s1 =	sadd.s32 $0xFFFFFFFF, s1;
	s0 =	rddreg [dreg:$0xb];
	[sflag:s6] =	ssyncset.done $0x0  }
.LBB2_3:
0x8d: {  	[sflag:s6] =	ssyncadd.s32 @p0 $0xFFFFC000  }
0x8e: {  	[tilespmem:s2], [sflag:$0xD] =	stream.linear.gather [hbm4b:s0+s2], $0x180, $0x38;
	[tilespmem:$0x18400] =	vst v63  }
0x8f: {  	_ = 	snop  }
0x90: {  	[tilespmem:s23], [sflag:$0xD] =	stream.linear.gather [hbm4b:s26+s2], $0x180, $0x38;
	[tilespmem:$0x18400] =	vst v63  }
0x91: {  	_ =	swait.ge [sflag:s25], $0x300  }
0x92: {  	[sflag:s25] =	ssyncset.done $0x0  }
0x93: {  	[sflag:s25] =	ssyncadd.s32 $0xFFFFFD00  }
0x94: {  	[tilespmem:s20], [sflag:$0x1] =	stream.indirect.gather [hbm4b:s3+s22], $0x80, s2, s22, $0xb8;
	[tilespmem:$0x18400] =	vst v63  }
0x95: {  	_ = 	snop  }
0x96: {  	[tilespmem:s18], [sflag:$0x2] =	stream.indirect.gather [hbm4b:s3+s22], $0x80, s23, s22, $0xb8;
	[tilespmem:$0x18400] =	vst v63  }
0x97: {  	_ = 	snop  }
0x98: {  	[tilespmem:s16], [sflag:$0x3] =	stream.indirect.gather [hbm4b:s4+s22], $0x80, s22, s22, $0xb8;
	[tilespmem:$0x18400] =	vst v63  }
0x99: {  	_ = 	snop  }
0x9a: {  	[tilespmem:s13], [sflag:$0x4] =	stream.indirect.gather [hbm4b:s4+s22], $0x80, s28, s22, $0xb8;
	[tilespmem:$0x18400] =	vst v63  }
0x9b: {  	_ = 	snop  }
0x9c: {  	[tilespmem:s10], [sflag:$0x5] =	stream.indirect.gather [hbm4b:s5+s22], $0x80, s30, s22, $0xb8;
	[tilespmem:$0x18400] =	vst v63  }
0x9d: {  	_ = 	snop  }
0x9e: {  	[tilespmem:s8], [sflag:$0x6] =	stream.indirect.gather [hbm4b:s5+s22], $0x80, s31, s22, $0xb8;
	[tilespmem:$0x18400] =	vst v63  }
0x9f: {  	_ =	swait.ge [sflag:s29], $0x4000  }
0xa0: {  	[sflag:s29] =	ssyncset.done $0x0  }
0xa1: {  	s23 =	rddreg [dreg:$0x5];
	[sflag:s29] =	ssyncadd.s32 $0xFFFFC000  }
0xa2: {  	[hbm4b:s23+s2] =	stream.linear.scatter [tilespmem:s20], [sflag:$0x7], $0x4000, $0x38;
	[tilespmem:$0x18400] =	vst v63  }
0xa3: {  	_ =	swait.ge [sflag:s24], $0x4000  }
0xa4: {  	[sflag:s24] =	ssyncset.done $0x0  }
0xa5: {  	s25 =	rddreg [dreg:$0x6];
	[sflag:s24] =	ssyncadd.s32 $0xFFFFC000  }
0xa6: {  	[hbm4b:s25+s2] =	stream.linear.scatter [tilespmem:s18], [sflag:$0x8], $0x4000, $0x38;
	[tilespmem:$0x18400] =	vst v63  }
0xa7: {  	_ =	swait.ge [sflag:s21], $0x4000  }
0xa8: {  	[sflag:s21] =	ssyncset.done $0x0  }
0xa9: {  	s26 =	rddreg [dreg:$0x7];
	[sflag:s21] =	ssyncadd.s32 $0xFFFFC000  }
0xaa: {  	[hbm4b:s26+s2] =	stream.linear.scatter [tilespmem:s16], [sflag:$0x9], $0x4000, $0x38;
	[tilespmem:$0x18400] =	vst v63  }
0xab: {  	_ =	swait.ge [sflag:s19], $0x4000  }
0xac: {  	[sflag:s19] =	ssyncset.done $0x0  }
0xad: {  	s28 =	rddreg [dreg:$0x8];
	[sflag:s19] =	ssyncadd.s32 $0xFFFFC000  }
0xae: {  	[hbm4b:s28+s2] =	stream.linear.scatter [tilespmem:s13], [sflag:$0xA], $0x4000, $0x38;
	[tilespmem:$0x18400] =	vst v63  }
0xaf: {  	_ =	swait.ge [sflag:s17], $0x4000  }
0xb0: {  	[sflag:s17] =	ssyncset.done $0x0  }
0xb1: {  	s29 =	rddreg [dreg:$0x9];
	[sflag:s17] =	ssyncadd.s32 $0xFFFFC000  }
0xb2: {  	[hbm4b:s29+s2] =	stream.linear.scatter [tilespmem:s10], [sflag:$0xB], $0x4000, $0x38;
	[tilespmem:$0x18400] =	vst v63  }
0xb3: {  	_ =	swait.ge [sflag:s14], $0x4000  }
0xb4: {  	[sflag:s14] =	ssyncset.done $0x0  }
0xb5: {  	s30 =	rddreg [dreg:$0xa];
	[sflag:s14] =	ssyncadd.s32 $0xFFFFC000  }
0xb6: {  	[hbm4b:s30+s2] =	stream.linear.scatter [tilespmem:s8], [sflag:$0xC], $0x4000, $0x38;
	[tilespmem:$0x18400] =	vst v63  }
0xb7: {  	_ =	swait.ge [sflag:s15], $0x4000  }
0xb8: {  	[sflag:s15] =	ssyncset.done $0x0  }
0xb9: {  	[sflag:s15] =	ssyncadd.s32 $0xFFFFC000  }
0xba: {  	_ =	swait.ge [sflag:s12], $0x4000  }
0xbb: {  	[sflag:s12] =	ssyncset.done $0x0  }
0xbc: {  	[sflag:s12] =	ssyncadd.s32 $0xFFFFC000  }
0xbd: {  	_ =	swait.ge [sflag:s11], $0x4000  }
0xbe: {  	[sflag:s11] =	ssyncset.done $0x0  }
0xbf: {  	[sflag:s11] =	ssyncadd.s32 $0xFFFFC000  }
0xc0: {  	_ =	swait.ge [sflag:s9], $0x4000  }
0xc1: {  	[sflag:s9] =	ssyncset.done $0x0  }
0xc2: {  	[sflag:s9] =	ssyncadd.s32 $0xFFFFC000  }
0xc3: {  	_ =	swait.ge [sflag:s7], $0x4000  }
0xc4: {  	[sflag:s7] =	ssyncset.done $0x0  }
0xc5: {  	[sflag:s7] =	ssyncadd.s32 $0xFFFFC000  }
0xc6: {  	_ =	swait.ge [sflag:s6], $0x4000  }
0xc7: {  	[sflag:s6] =	ssyncset.done $0x0  }
0xc8: {  	[sflag:s6] =	ssyncadd.s32 $0xFFFFC000  }
0xc9: {  	_ =	sfence.sel $0x180000  }
0xca: {  	[bflag:$0x0] =	sbarrier.arrive $0xFFFF  }
0xcb: {  	_ =	strace $0x9000004A  }
0xcc: {  	s31 =	stileid.u32;
	[bflag:$0x2] =	sbarrier.arrive $0xFFFF  }
0xcd: {  	p0 =	sne.s32 s31, $0x0;
	s0 =	rddreg [dreg:$0x4]  }
0xce: {  	s0 =	sadd.s32 @!p0 $0x100000, s0  }
0xcf: {  	[sflag:s0] =	ssyncadd.tile.s32 @!p0 $0x1;
	_ =	shalt  }
.Lfunc_end2:
_tile_overlayer_lowered:
.L_overlay_start_2:
0xd0: {  	(tag) =	ssettag $0x2  }
0xd1: {  	s0 =	rddreg [dreg:$0x0];
	s2 =	stileid.u32  }
0xd2: {  	s1 =	rddreg [dreg:$0x1];
	p0 =	sne.s32 s2, $0x0  }
0xd3: {  	s3 =	rddreg [dreg:$0x2];
	[bflag:$0x3] =	sbarrier.arrive $0xFFFF;
	s2 =	simm.s32 @!p0 $0x1C0D  }
0xd4: {  	[timem:s3], [sflag:s2] =	dma.local @!p0 [hbm:s0], s1  }
0xd5: {  	s0 =	simm.s32 @!p0 $0xD  }
0xd6: {  	_ =	swait.ge @!p0 [sflag:s0], s1  }
0xd7: {  	s1 =	ssub.s32 @!p0 $0x0, s1;
	[sflag:s0] =	ssyncset.done @!p0 $0x0  }
0xd8: {  	[sflag:s0] =	ssyncadd.s32 @!p0 s1  }
0xd9: {  	[bflag:$0x3] =	sbarrier.arrive $0xFFFF  }
0xda: {  	_ =	shalt  }

</sc_bundles>
